<compile_context>
chip_gen: v7x
topology: tpu7x:2x2x1
jax: 0.10.2.dev20260603
libtpu: 0.0.44.dev20260713+nightly
codegen_flags: <defaults>
</compile_context>

<pallas_src>
import functools

import jax
import jax.numpy as jnp
from jax import lax
from jax.experimental import pallas as pl
from jax.experimental.pallas import tpu as pltpu
from jax.experimental.pallas import tpu_sc as plsc

NC = 2
NS = 16
NW = NC * NS
CHUNK = 100
GC = 4


def kernel(input_ids, embed_table):
    B, S = input_ids.shape
    V, D = embed_table.shape
    N = B * S
    assert N % (NW * CHUNK * GC * 2) == 0
    b_per_w = N // NW
    n_chunks = b_per_w // CHUNK
    n_groups = n_chunks // GC
    n_pairs = n_groups // 2
    grows = GC * CHUNK

    ids3 = input_ids.reshape(NW, n_chunks, CHUNK).astype(jnp.int32)

    mesh = plsc.VectorSubcoreMesh(
        core_axis_name="c", subcore_axis_name="s",
        num_cores=NC, num_subcores=NS)

    @functools.partial(
        pl.kernel,
        out_type=jax.ShapeDtypeStruct((N, D), jnp.float32),
        mesh=mesh,
        scratch_types=[
            pltpu.VMEM((n_chunks, CHUNK), jnp.int32),
            pltpu.VMEM((grows, D), jnp.float32),
            pltpu.VMEM((grows, D), jnp.float32),
            pltpu.SemaphoreType.DMA((GC,)),
            pltpu.SemaphoreType.DMA((GC,)),
            pltpu.SemaphoreType.DMA,
            pltpu.SemaphoreType.DMA,
        ],
    )
    def gather_kernel(ids_hbm, table_hbm, out_hbm, idx_v,
                      buf_a, buf_b, gsem_a, gsem_b, ssem_a, ssem_b):
        wid = lax.axis_index("s") * NC + lax.axis_index("c")
        base = wid * b_per_w
        pltpu.sync_copy(ids_hbm.at[wid], idx_v)

        def fire_group(g, buf, gsem):
            return [
                pltpu.async_copy(
                    table_hbm.at[idx_v.at[g * GC + k]],
                    buf.at[pl.ds(k * CHUNK, CHUNK)], gsem.at[k])
                for k in range(GC)
            ]

        def fire_s(g, buf, ssem):
            pltpu.async_copy(
                buf, out_hbm.at[pl.ds(base + g * grows, grows)], ssem)

        def drain_s(g, buf, ssem):
            pltpu.make_async_copy(
                buf, out_hbm.at[pl.ds(base + g * grows, grows)], ssem).wait()

        hga = fire_group(0, buf_a, gsem_a)
        hgb = fire_group(1, buf_b, gsem_b)
        for h in hga:
            h.wait()
        fire_s(0, buf_a, ssem_a)
        for h in hgb:
            h.wait()
        fire_s(1, buf_b, ssem_b)

        @pl.loop(1, n_pairs)
        def body(m):
            g0 = 2 * m
            g1 = g0 + 1
            drain_s(g0 - 2, buf_a, ssem_a)
            hga = fire_group(g0, buf_a, gsem_a)
            drain_s(g1 - 2, buf_b, ssem_b)
            hgb = fire_group(g1, buf_b, gsem_b)
            for h in hga:
                h.wait()
            fire_s(g0, buf_a, ssem_a)
            for h in hgb:
                h.wait()
            fire_s(g1, buf_b, ssem_b)

        drain_s(n_groups - 2, buf_a, ssem_a)
        drain_s(n_groups - 1, buf_b, ssem_b)

    out = gather_kernel(ids3, embed_table)
    return out.reshape(B, S, D)

# --- scband reference (transcript-rebuilt; emitter-appended) ---
"""Pipeline reference for scband-mock-qwen-base-model-22497038696838 (READ-ONLY COPY).

The authoritative reference and input builder live on the scoring server;
editing this copy changes nothing except your own understanding.
"""

import jax, jax.numpy as jnp
import numpy as np

VOCAB = 1000000
HIDDEN = 128
NUM_LAYERS = 24

def setup_inputs(seed: int = 0) -> dict:
    key = jax.random.key(seed)
    k_ids, k_w = jax.random.split(key)
    input_ids = jax.random.randint(k_ids, (1024, 200), 0, VOCAB, dtype=jnp.int64 if jax.config.jax_enable_x64 else jnp.int32)
    embed_table = jax.random.normal(k_w, (VOCAB, HIDDEN), dtype=jnp.float32) * 0.02
    return {"input_ids": input_ids, "embed_table": embed_table}

def reference(input_ids, embed_table):
    # _MockQwenBaseModel.forward with inputs_embeds=None, output_hidden_states=False:
    # h = self.embed_tokens(input_ids); returns last_hidden_state=h
    h = jnp.take(embed_table, input_ids, axis=0)
    return h

if __name__ == "__main__":
    import jax
    _d = setup_inputs()
    print(jax.jit(kernel)(*tuple(_d.values())))

</pallas_src>

<mosaic_0001>
#map = affine_map<(d0, d1) -> (0, 0, 0)>
#map1 = affine_map<(d0, d1) -> (0, 0)>
module attributes {stable_mosaic.version = 14 : i64} {
  func.func @gather_kernel(%arg0: i32, %arg1: i32, %arg2: memref<32x64x100xi32, #tpu.memory_space<hbm>>, %arg3: memref<1000000x128xf32, #tpu.memory_space<hbm>>, %arg4: memref<204800x128xf32, #tpu.memory_space<hbm>>, %arg5: memref<64x100xi32, #tpu.memory_space<vmem>>, %arg6: memref<400x128xf32, #tpu.memory_space<vmem>>, %arg7: memref<400x128xf32, #tpu.memory_space<vmem>>, %arg8: memref<4x!tpu.dma_semaphore, #tpu.memory_space<semaphore_mem>>, %arg9: memref<4x!tpu.dma_semaphore, #tpu.memory_space<semaphore_mem>>, %arg10: memref<!tpu.dma_semaphore, #tpu.memory_space<semaphore_mem>>, %arg11: memref<!tpu.dma_semaphore, #tpu.memory_space<semaphore_mem>>) attributes {dimension_semantics = [#tpu.dimension_semantics<core_parallel>, #tpu.dimension_semantics<subcore_parallel>], iteration_bounds = array<i64: 2, 16>, scalar_prefetch = 0 : i64, scratch_operands = 7 : i64, tpu.core_type = #tpu.core_type<sc_vector_subcore>, window_params = [{transform_indices = #map}, {transform_indices = #map1}, {transform_indices = #map1}]} {
    %mul3A = arith.constant 2 : i32
    %mul3A_0 = arith.muli %arg1, %mul3A : i32
    %add3A = arith.addi %mul3A_0, %arg0 : i32
    %mul3A_1 = arith.constant 6400 : i32
    %mul3A_2 = arith.muli %add3A, %mul3A_1 : i32
    "tpu.region"() ({
      %run_scoped3A = tpu.sem_alloc : memref<!tpu.dma_semaphore, #tpu.memory_space<semaphore_mem>>
      %dma_start3A_237 = arith.constant 0 : i32
      %dma_start3A_238 = arith.constant 0 : i32
      %dma_start3A_239 = tpu.memref_slice %arg2[%add3A, %dma_start3A_237, %dma_start3A_238] : memref<32x64x100xi32, #tpu.memory_space<hbm>> -> memref<1x64x100xi32, #tpu.memory_space<hbm>>
      %dma_start3A_240 = tpu.memref_squeeze %dma_start3A_239 : memref<1x64x100xi32, #tpu.memory_space<hbm>> -> memref<64x100xi32, #tpu.memory_space<hbm>>
      %dma_start3A_241 = arith.constant 0 : i32
      %dma_start3A_242 = arith.constant 0 : i32
      %dma_start3A_243 = tpu.memref_slice %arg2[%add3A, %dma_start3A_241, %dma_start3A_242] : memref<32x64x100xi32, #tpu.memory_space<hbm>> -> memref<1x64x100xi32, #tpu.memory_space<hbm>>
      %dma_start3A_244 = tpu.memref_squeeze %dma_start3A_243 : memref<1x64x100xi32, #tpu.memory_space<hbm>> -> memref<64x100xi32, #tpu.memory_space<hbm>>
      tpu.enqueue_dma source(%dma_start3A_244 : memref<64x100xi32, #tpu.memory_space<hbm>>) target(%arg5 : memref<64x100xi32, #tpu.memory_space<vmem>>) target_semaphore(%run_scoped3A : memref<!tpu.dma_semaphore, #tpu.memory_space<semaphore_mem>>)
      %dma_wait3A_245 = arith.constant 0 : i32
      %dma_wait3A_246 = arith.constant 0 : i32
      %dma_wait3A_247 = tpu.memref_slice %arg2[%add3A, %dma_wait3A_245, %dma_wait3A_246] : memref<32x64x100xi32, #tpu.memory_space<hbm>> -> memref<1x64x100xi32, #tpu.memory_space<hbm>>
      %dma_wait3A_248 = tpu.memref_squeeze %dma_wait3A_247 : memref<1x64x100xi32, #tpu.memory_space<hbm>> -> memref<64x100xi32, #tpu.memory_space<hbm>>
      %dma_wait3A_249 = arith.constant 0 : i32
      %dma_wait3A_250 = arith.constant 0 : i32
      %dma_wait3A_251 = tpu.memref_slice %arg2[%add3A, %dma_wait3A_249, %dma_wait3A_250] : memref<32x64x100xi32, #tpu.memory_space<hbm>> -> memref<1x64x100xi32, #tpu.memory_space<hbm>>
      %dma_wait3A_252 = tpu.memref_squeeze %dma_wait3A_251 : memref<1x64x100xi32, #tpu.memory_space<hbm>> -> memref<64x100xi32, #tpu.memory_space<hbm>>
      tpu.wait_dma2 semaphore(%run_scoped3A : memref<!tpu.dma_semaphore, #tpu.memory_space<semaphore_mem>>) src(%dma_wait3A_252 : memref<64x100xi32, #tpu.memory_space<hbm>>) dst(%arg5 : memref<64x100xi32, #tpu.memory_space<vmem>>)
      tpu.yield
    }) : () -> ()
    %dma_start3A = arith.constant 0 : i32
    %dma_start3A_3 = arith.constant 0 : i32
    %dma_start3A_4 = arith.constant 0 : i32
    %dma_start3A_5 = arith.constant 0 : i32
    %dma_start3A_6 = tpu.memref_slice %arg6[%dma_start3A_4, %dma_start3A_5] : memref<400x128xf32, #tpu.memory_space<vmem>> -> memref<100x128xf32, #tpu.memory_space<vmem>>
    %dma_start3A_7 = arith.constant 0 : i32
    %dma_start3A_8 = tpu.memref_slice %arg5[%dma_start3A, %dma_start3A_7] : memref<64x100xi32, #tpu.memory_space<vmem>> -> memref<1x100xi32, #tpu.memory_space<vmem>>
    %dma_start3A_9 = tpu.memref_squeeze %dma_start3A_8 : memref<1x100xi32, #tpu.memory_space<vmem>> -> memref<100xi32, #tpu.memory_space<vmem>>
    %dma_start3A_10 = arith.constant 0 : i32
    %dma_start3A_11 = arith.constant 0 : i32
    %dma_start3A_12 = tpu.memref_slice %arg3[%dma_start3A_10, %dma_start3A_11] : memref<1000000x128xf32, #tpu.memory_space<hbm>> -> memref<1000000x128xf32, #tpu.memory_space<hbm>>
    %dma_start3A_13 = tpu.memref_slice %arg8[%dma_start3A_3] : memref<4x!tpu.dma_semaphore, #tpu.memory_space<semaphore_mem>> -> memref<1x!tpu.dma_semaphore, #tpu.memory_space<semaphore_mem>>
    %dma_start3A_14 = tpu.memref_squeeze %dma_start3A_13 : memref<1x!tpu.dma_semaphore, #tpu.memory_space<semaphore_mem>> -> memref<!tpu.dma_semaphore, #tpu.memory_space<semaphore_mem>>
    tpu.enqueue_indirect_dma source(%dma_start3A_12 : memref<1000000x128xf32, #tpu.memory_space<hbm>>) target(%dma_start3A_6 : memref<100x128xf32, #tpu.memory_space<vmem>>) offsets(%dma_start3A_9 : memref<100xi32, #tpu.memory_space<vmem>>) semaphore(%dma_start3A_14 : memref<!tpu.dma_semaphore, #tpu.memory_space<semaphore_mem>>)
    %dma_start3A_15 = arith.constant 1 : i32
    %dma_start3A_16 = arith.constant 1 : i32
    %dma_start3A_17 = arith.constant 100 : i32
    %dma_start3A_18 = arith.constant 0 : i32
    %dma_start3A_19 = tpu.memref_slice %arg6[%dma_start3A_17, %dma_start3A_18] : memref<400x128xf32, #tpu.memory_space<vmem>> -> memref<100x128xf32, #tpu.memory_space<vmem>>
    %dma_start3A_20 = arith.constant 0 : i32
    %dma_start3A_21 = tpu.memref_slice %arg5[%dma_start3A_15, %dma_start3A_20] : memref<64x100xi32, #tpu.memory_space<vmem>> -> memref<1x100xi32, #tpu.memory_space<vmem>>
    %dma_start3A_22 = tpu.memref_squeeze %dma_start3A_21 : memref<1x100xi32, #tpu.memory_space<vmem>> -> memref<100xi32, #tpu.memory_space<vmem>>
    %dma_start3A_23 = arith.constant 0 : i32
    %dma_start3A_24 = arith.constant 0 : i32
    %dma_start3A_25 = tpu.memref_slice %arg3[%dma_start3A_23, %dma_start3A_24] : memref<1000000x128xf32, #tpu.memory_space<hbm>> -> memref<1000000x128xf32, #tpu.memory_space<hbm>>
    %dma_start3A_26 = tpu.memref_slice %arg8[%dma_start3A_16] : memref<4x!tpu.dma_semaphore, #tpu.memory_space<semaphore_mem>> -> memref<1x!tpu.dma_semaphore, #tpu.memory_space<semaphore_mem>>
    %dma_start3A_27 = tpu.memref_squeeze %dma_start3A_26 : memref<1x!tpu.dma_semaphore, #tpu.memory_space<semaphore_mem>> -> memref<!tpu.dma_semaphore, #tpu.memory_space<semaphore_mem>>
    tpu.enqueue_indirect_dma source(%dma_start3A_25 : memref<1000000x128xf32, #tpu.memory_space<hbm>>) target(%dma_start3A_19 : memref<100x128xf32, #tpu.memory_space<vmem>>) offsets(%dma_start3A_22 : memref<100xi32, #tpu.memory_space<vmem>>) semaphore(%dma_start3A_27 : memref<!tpu.dma_semaphore, #tpu.memory_space<semaphore_mem>>)
    %dma_start3A_28 = arith.constant 2 : i32
    %dma_start3A_29 = arith.constant 2 : i32
    %dma_start3A_30 = arith.constant 200 : i32
    %dma_start3A_31 = arith.constant 0 : i32
    %dma_start3A_32 = tpu.memref_slice %arg6[%dma_start3A_30, %dma_start3A_31] : memref<400x128xf32, #tpu.memory_space<vmem>> -> memref<100x128xf32, #tpu.memory_space<vmem>>
    %dma_start3A_33 = arith.constant 0 : i32
    %dma_start3A_34 = tpu.memref_slice %arg5[%dma_start3A_28, %dma_start3A_33] : memref<64x100xi32, #tpu.memory_space<vmem>> -> memref<1x100xi32, #tpu.memory_space<vmem>>
    %dma_start3A_35 = tpu.memref_squeeze %dma_start3A_34 : memref<1x100xi32, #tpu.memory_space<vmem>> -> memref<100xi32, #tpu.memory_space<vmem>>
    %dma_start3A_36 = arith.constant 0 : i32
    %dma_start3A_37 = arith.constant 0 : i32
    %dma_start3A_38 = tpu.memref_slice %arg3[%dma_start3A_36, %dma_start3A_37] : memref<1000000x128xf32, #tpu.memory_space<hbm>> -> memref<1000000x128xf32, #tpu.memory_space<hbm>>
    %dma_start3A_39 = tpu.memref_slice %arg8[%dma_start3A_29] : memref<4x!tpu.dma_semaphore, #tpu.memory_space<semaphore_mem>> -> memref<1x!tpu.dma_semaphore, #tpu.memory_space<semaphore_mem>>
    %dma_start3A_40 = tpu.memref_squeeze %dma_start3A_39 : memref<1x!tpu.dma_semaphore, #tpu.memory_space<semaphore_mem>> -> memref<!tpu.dma_semaphore, #tpu.memory_space<semaphore_mem>>
    tpu.enqueue_indirect_dma source(%dma_start3A_38 : memref<1000000x128xf32, #tpu.memory_space<hbm>>) target(%dma_start3A_32 : memref<100x128xf32, #tpu.memory_space<vmem>>) offsets(%dma_start3A_35 : memref<100xi32, #tpu.memory_space<vmem>>) semaphore(%dma_start3A_40 : memref<!tpu.dma_semaphore, #tpu.memory_space<semaphore_mem>>)
    %dma_start3A_41 = arith.constant 3 : i32
    %dma_start3A_42 = arith.constant 3 : i32
    %dma_start3A_43 = arith.constant 300 : i32
    %dma_start3A_44 = arith.constant 0 : i32
    %dma_start3A_45 = tpu.memref_slice %arg6[%dma_start3A_43, %dma_start3A_44] : memref<400x128xf32, #tpu.memory_space<vmem>> -> memref<100x128xf32, #tpu.memory_space<vmem>>
    %dma_start3A_46 = arith.constant 0 : i32
    %dma_start3A_47 = tpu.memref_slice %arg5[%dma_start3A_41, %dma_start3A_46] : memref<64x100xi32, #tpu.memory_space<vmem>> -> memref<1x100xi32, #tpu.memory_space<vmem>>
    %dma_start3A_48 = tpu.memref_squeeze %dma_start3A_47 : memref<1x100xi32, #tpu.memory_space<vmem>> -> memref<100xi32, #tpu.memory_space<vmem>>
    %dma_start3A_49 = arith.constant 0 : i32
    %dma_start3A_50 = arith.constant 0 : i32
    %dma_start3A_51 = tpu.memref_slice %arg3[%dma_start3A_49, %dma_start3A_50] : memref<1000000x128xf32, #tpu.memory_space<hbm>> -> memref<1000000x128xf32, #tpu.memory_space<hbm>>
    %dma_start3A_52 = tpu.memref_slice %arg8[%dma_start3A_42] : memref<4x!tpu.dma_semaphore, #tpu.memory_space<semaphore_mem>> -> memref<1x!tpu.dma_semaphore, #tpu.memory_space<semaphore_mem>>
    %dma_start3A_53 = tpu.memref_squeeze %dma_start3A_52 : memref<1x!tpu.dma_semaphore, #tpu.memory_space<semaphore_mem>> -> memref<!tpu.dma_semaphore, #tpu.memory_space<semaphore_mem>>
    tpu.enqueue_indirect_dma source(%dma_start3A_51 : memref<1000000x128xf32, #tpu.memory_space<hbm>>) target(%dma_start3A_45 : memref<100x128xf32, #tpu.memory_space<vmem>>) offsets(%dma_start3A_48 : memref<100xi32, #tpu.memory_space<vmem>>) semaphore(%dma_start3A_53 : memref<!tpu.dma_semaphore, #tpu.memory_space<semaphore_mem>>)
    %dma_start3A_54 = arith.constant 4 : i32
    %dma_start3A_55 = arith.constant 0 : i32
    %dma_start3A_56 = arith.constant 0 : i32
    %dma_start3A_57 = arith.constant 0 : i32
    %dma_start3A_58 = tpu.memref_slice %arg7[%dma_start3A_56, %dma_start3A_57] : memref<400x128xf32, #tpu.memory_space<vmem>> -> memref<100x128xf32, #tpu.memory_space<vmem>>
    %dma_start3A_59 = arith.constant 0 : i32
    %dma_start3A_60 = tpu.memref_slice %arg5[%dma_start3A_54, %dma_start3A_59] : memref<64x100xi32, #tpu.memory_space<vmem>> -> memref<1x100xi32, #tpu.memory_space<vmem>>
    %dma_start3A_61 = tpu.memref_squeeze %dma_start3A_60 : memref<1x100xi32, #tpu.memory_space<vmem>> -> memref<100xi32, #tpu.memory_space<vmem>>
    %dma_start3A_62 = arith.constant 0 : i32
    %dma_start3A_63 = arith.constant 0 : i32
    %dma_start3A_64 = tpu.memref_slice %arg3[%dma_start3A_62, %dma_start3A_63] : memref<1000000x128xf32, #tpu.memory_space<hbm>> -> memref<1000000x128xf32, #tpu.memory_space<hbm>>
    %dma_start3A_65 = tpu.memref_slice %arg9[%dma_start3A_55] : memref<4x!tpu.dma_semaphore, #tpu.memory_space<semaphore_mem>> -> memref<1x!tpu.dma_semaphore, #tpu.memory_space<semaphore_mem>>
    %dma_start3A_66 = tpu.memref_squeeze %dma_start3A_65 : memref<1x!tpu.dma_semaphore, #tpu.memory_space<semaphore_mem>> -> memref<!tpu.dma_semaphore, #tpu.memory_space<semaphore_mem>>
    tpu.enqueue_indirect_dma source(%dma_start3A_64 : memref<1000000x128xf32, #tpu.memory_space<hbm>>) target(%dma_start3A_58 : memref<100x128xf32, #tpu.memory_space<vmem>>) offsets(%dma_start3A_61 : memref<100xi32, #tpu.memory_space<vmem>>) semaphore(%dma_start3A_66 : memref<!tpu.dma_semaphore, #tpu.memory_space<semaphore_mem>>)
    %dma_start3A_67 = arith.constant 5 : i32
    %dma_start3A_68 = arith.constant 1 : i32
    %dma_start3A_69 = arith.constant 100 : i32
    %dma_start3A_70 = arith.constant 0 : i32
    %dma_start3A_71 = tpu.memref_slice %arg7[%dma_start3A_69, %dma_start3A_70] : memref<400x128xf32, #tpu.memory_space<vmem>> -> memref<100x128xf32, #tpu.memory_space<vmem>>
    %dma_start3A_72 = arith.constant 0 : i32
    %dma_start3A_73 = tpu.memref_slice %arg5[%dma_start3A_67, %dma_start3A_72] : memref<64x100xi32, #tpu.memory_space<vmem>> -> memref<1x100xi32, #tpu.memory_space<vmem>>
    %dma_start3A_74 = tpu.memref_squeeze %dma_start3A_73 : memref<1x100xi32, #tpu.memory_space<vmem>> -> memref<100xi32, #tpu.memory_space<vmem>>
    %dma_start3A_75 = arith.constant 0 : i32
    %dma_start3A_76 = arith.constant 0 : i32
    %dma_start3A_77 = tpu.memref_slice %arg3[%dma_start3A_75, %dma_start3A_76] : memref<1000000x128xf32, #tpu.memory_space<hbm>> -> memref<1000000x128xf32, #tpu.memory_space<hbm>>
    %dma_start3A_78 = tpu.memref_slice %arg9[%dma_start3A_68] : memref<4x!tpu.dma_semaphore, #tpu.memory_space<semaphore_mem>> -> memref<1x!tpu.dma_semaphore, #tpu.memory_space<semaphore_mem>>
    %dma_start3A_79 = tpu.memref_squeeze %dma_start3A_78 : memref<1x!tpu.dma_semaphore, #tpu.memory_space<semaphore_mem>> -> memref<!tpu.dma_semaphore, #tpu.memory_space<semaphore_mem>>
    tpu.enqueue_indirect_dma source(%dma_start3A_77 : memref<1000000x128xf32, #tpu.memory_space<hbm>>) target(%dma_start3A_71 : memref<100x128xf32, #tpu.memory_space<vmem>>) offsets(%dma_start3A_74 : memref<100xi32, #tpu.memory_space<vmem>>) semaphore(%dma_start3A_79 : memref<!tpu.dma_semaphore, #tpu.memory_space<semaphore_mem>>)
    %dma_start3A_80 = arith.constant 6 : i32
    %dma_start3A_81 = arith.constant 2 : i32
    %dma_start3A_82 = arith.constant 200 : i32
    %dma_start3A_83 = arith.constant 0 : i32
    %dma_start3A_84 = tpu.memref_slice %arg7[%dma_start3A_82, %dma_start3A_83] : memref<400x128xf32, #tpu.memory_space<vmem>> -> memref<100x128xf32, #tpu.memory_space<vmem>>
    %dma_start3A_85 = arith.constant 0 : i32
    %dma_start3A_86 = tpu.memref_slice %arg5[%dma_start3A_80, %dma_start3A_85] : memref<64x100xi32, #tpu.memory_space<vmem>> -> memref<1x100xi32, #tpu.memory_space<vmem>>
    %dma_start3A_87 = tpu.memref_squeeze %dma_start3A_86 : memref<1x100xi32, #tpu.memory_space<vmem>> -> memref<100xi32, #tpu.memory_space<vmem>>
    %dma_start3A_88 = arith.constant 0 : i32
    %dma_start3A_89 = arith.constant 0 : i32
    %dma_start3A_90 = tpu.memref_slice %arg3[%dma_start3A_88, %dma_start3A_89] : memref<1000000x128xf32, #tpu.memory_space<hbm>> -> memref<1000000x128xf32, #tpu.memory_space<hbm>>
    %dma_start3A_91 = tpu.memref_slice %arg9[%dma_start3A_81] : memref<4x!tpu.dma_semaphore, #tpu.memory_space<semaphore_mem>> -> memref<1x!tpu.dma_semaphore, #tpu.memory_space<semaphore_mem>>
    %dma_start3A_92 = tpu.memref_squeeze %dma_start3A_91 : memref<1x!tpu.dma_semaphore, #tpu.memory_space<semaphore_mem>> -> memref<!tpu.dma_semaphore, #tpu.memory_space<semaphore_mem>>
    tpu.enqueue_indirect_dma source(%dma_start3A_90 : memref<1000000x128xf32, #tpu.memory_space<hbm>>) target(%dma_start3A_84 : memref<100x128xf32, #tpu.memory_space<vmem>>) offsets(%dma_start3A_87 : memref<100xi32, #tpu.memory_space<vmem>>) semaphore(%dma_start3A_92 : memref<!tpu.dma_semaphore, #tpu.memory_space<semaphore_mem>>)
    %dma_start3A_93 = arith.constant 7 : i32
    %dma_start3A_94 = arith.constant 3 : i32
    %dma_start3A_95 = arith.constant 300 : i32
    %dma_start3A_96 = arith.constant 0 : i32
    %dma_start3A_97 = tpu.memref_slice %arg7[%dma_start3A_95, %dma_start3A_96] : memref<400x128xf32, #tpu.memory_space<vmem>> -> memref<100x128xf32, #tpu.memory_space<vmem>>
    %dma_start3A_98 = arith.constant 0 : i32
    %dma_start3A_99 = tpu.memref_slice %arg5[%dma_start3A_93, %dma_start3A_98] : memref<64x100xi32, #tpu.memory_space<vmem>> -> memref<1x100xi32, #tpu.memory_space<vmem>>
    %dma_start3A_100 = tpu.memref_squeeze %dma_start3A_99 : memref<1x100xi32, #tpu.memory_space<vmem>> -> memref<100xi32, #tpu.memory_space<vmem>>
    %dma_start3A_101 = arith.constant 0 : i32
    %dma_start3A_102 = arith.constant 0 : i32
    %dma_start3A_103 = tpu.memref_slice %arg3[%dma_start3A_101, %dma_start3A_102] : memref<1000000x128xf32, #tpu.memory_space<hbm>> -> memref<1000000x128xf32, #tpu.memory_space<hbm>>
    %dma_start3A_104 = tpu.memref_slice %arg9[%dma_start3A_94] : memref<4x!tpu.dma_semaphore, #tpu.memory_space<semaphore_mem>> -> memref<1x!tpu.dma_semaphore, #tpu.memory_space<semaphore_mem>>
    %dma_start3A_105 = tpu.memref_squeeze %dma_start3A_104 : memref<1x!tpu.dma_semaphore, #tpu.memory_space<semaphore_mem>> -> memref<!tpu.dma_semaphore, #tpu.memory_space<semaphore_mem>>
    tpu.enqueue_indirect_dma source(%dma_start3A_103 : memref<1000000x128xf32, #tpu.memory_space<hbm>>) target(%dma_start3A_97 : memref<100x128xf32, #tpu.memory_space<vmem>>) offsets(%dma_start3A_100 : memref<100xi32, #tpu.memory_space<vmem>>) semaphore(%dma_start3A_105 : memref<!tpu.dma_semaphore, #tpu.memory_space<semaphore_mem>>)
    %dma_wait3A = arith.constant 0 : i32
    %dma_wait3A_106 = arith.constant 0 : i32
    %dma_wait3A_107 = arith.constant 0 : i32
    %dma_wait3A_108 = arith.constant 0 : i32
    %dma_wait3A_109 = tpu.memref_slice %arg6[%dma_wait3A_107, %dma_wait3A_108] : memref<400x128xf32, #tpu.memory_space<vmem>> -> memref<100x128xf32, #tpu.memory_space<vmem>>
    %dma_wait3A_110 = arith.constant 0 : i32
    %dma_wait3A_111 = tpu.memref_slice %arg5[%dma_wait3A, %dma_wait3A_110] : memref<64x100xi32, #tpu.memory_space<vmem>> -> memref<1x100xi32, #tpu.memory_space<vmem>>
    %dma_wait3A_112 = tpu.memref_squeeze %dma_wait3A_111 : memref<1x100xi32, #tpu.memory_space<vmem>> -> memref<100xi32, #tpu.memory_space<vmem>>
    %dma_wait3A_113 = arith.constant 0 : i32
    %dma_wait3A_114 = arith.constant 0 : i32
    %dma_wait3A_115 = tpu.memref_slice %arg3[%dma_wait3A_113, %dma_wait3A_114] : memref<1000000x128xf32, #tpu.memory_space<hbm>> -> memref<1000000x128xf32, #tpu.memory_space<hbm>>
    %dma_wait3A_116 = tpu.memref_slice %arg8[%dma_wait3A_106] : memref<4x!tpu.dma_semaphore, #tpu.memory_space<semaphore_mem>> -> memref<1x!tpu.dma_semaphore, #tpu.memory_space<semaphore_mem>>
    %dma_wait3A_117 = tpu.memref_squeeze %dma_wait3A_116 : memref<1x!tpu.dma_semaphore, #tpu.memory_space<semaphore_mem>> -> memref<!tpu.dma_semaphore, #tpu.memory_space<semaphore_mem>>
    tpu.wait_indirect_dma semaphore(%dma_wait3A_117 : memref<!tpu.dma_semaphore, #tpu.memory_space<semaphore_mem>>) src(%dma_wait3A_115 : memref<1000000x128xf32, #tpu.memory_space<hbm>>) dst(%dma_wait3A_109 : memref<100x128xf32, #tpu.memory_space<vmem>>)
    %dma_wait3A_118 = arith.constant 1 : i32
    %dma_wait3A_119 = arith.constant 1 : i32
    %dma_wait3A_120 = arith.constant 100 : i32
    %dma_wait3A_121 = arith.constant 0 : i32
    %dma_wait3A_122 = tpu.memref_slice %arg6[%dma_wait3A_120, %dma_wait3A_121] : memref<400x128xf32, #tpu.memory_space<vmem>> -> memref<100x128xf32, #tpu.memory_space<vmem>>
    %dma_wait3A_123 = arith.constant 0 : i32
    %dma_wait3A_124 = tpu.memref_slice %arg5[%dma_wait3A_118, %dma_wait3A_123] : memref<64x100xi32, #tpu.memory_space<vmem>> -> memref<1x100xi32, #tpu.memory_space<vmem>>
    %dma_wait3A_125 = tpu.memref_squeeze %dma_wait3A_124 : memref<1x100xi32, #tpu.memory_space<vmem>> -> memref<100xi32, #tpu.memory_space<vmem>>
    %dma_wait3A_126 = arith.constant 0 : i32
    %dma_wait3A_127 = arith.constant 0 : i32
    %dma_wait3A_128 = tpu.memref_slice %arg3[%dma_wait3A_126, %dma_wait3A_127] : memref<1000000x128xf32, #tpu.memory_space<hbm>> -> memref<1000000x128xf32, #tpu.memory_space<hbm>>
    %dma_wait3A_129 = tpu.memref_slice %arg8[%dma_wait3A_119] : memref<4x!tpu.dma_semaphore, #tpu.memory_space<semaphore_mem>> -> memref<1x!tpu.dma_semaphore, #tpu.memory_space<semaphore_mem>>
    %dma_wait3A_130 = tpu.memref_squeeze %dma_wait3A_129 : memref<1x!tpu.dma_semaphore, #tpu.memory_space<semaphore_mem>> -> memref<!tpu.dma_semaphore, #tpu.memory_space<semaphore_mem>>
    tpu.wait_indirect_dma semaphore(%dma_wait3A_130 : memref<!tpu.dma_semaphore, #tpu.memory_space<semaphore_mem>>) src(%dma_wait3A_128 : memref<1000000x128xf32, #tpu.memory_space<hbm>>) dst(%dma_wait3A_122 : memref<100x128xf32, #tpu.memory_space<vmem>>)
    %dma_wait3A_131 = arith.constant 2 : i32
    %dma_wait3A_132 = arith.constant 2 : i32
    %dma_wait3A_133 = arith.constant 200 : i32
    %dma_wait3A_134 = arith.constant 0 : i32
    %dma_wait3A_135 = tpu.memref_slice %arg6[%dma_wait3A_133, %dma_wait3A_134] : memref<400x128xf32, #tpu.memory_space<vmem>> -> memref<100x128xf32, #tpu.memory_space<vmem>>
    %dma_wait3A_136 = arith.constant 0 : i32
    %dma_wait3A_137 = tpu.memref_slice %arg5[%dma_wait3A_131, %dma_wait3A_136] : memref<64x100xi32, #tpu.memory_space<vmem>> -> memref<1x100xi32, #tpu.memory_space<vmem>>
    %dma_wait3A_138 = tpu.memref_squeeze %dma_wait3A_137 : memref<1x100xi32, #tpu.memory_space<vmem>> -> memref<100xi32, #tpu.memory_space<vmem>>
    %dma_wait3A_139 = arith.constant 0 : i32
    %dma_wait3A_140 = arith.constant 0 : i32
    %dma_wait3A_141 = tpu.memref_slice %arg3[%dma_wait3A_139, %dma_wait3A_140] : memref<1000000x128xf32, #tpu.memory_space<hbm>> -> memref<1000000x128xf32, #tpu.memory_space<hbm>>
    %dma_wait3A_142 = tpu.memref_slice %arg8[%dma_wait3A_132] : memref<4x!tpu.dma_semaphore, #tpu.memory_space<semaphore_mem>> -> memref<1x!tpu.dma_semaphore, #tpu.memory_space<semaphore_mem>>
    %dma_wait3A_143 = tpu.memref_squeeze %dma_wait3A_142 : memref<1x!tpu.dma_semaphore, #tpu.memory_space<semaphore_mem>> -> memref<!tpu.dma_semaphore, #tpu.memory_space<semaphore_mem>>
    tpu.wait_indirect_dma semaphore(%dma_wait3A_143 : memref<!tpu.dma_semaphore, #tpu.memory_space<semaphore_mem>>) src(%dma_wait3A_141 : memref<1000000x128xf32, #tpu.memory_space<hbm>>) dst(%dma_wait3A_135 : memref<100x128xf32, #tpu.memory_space<vmem>>)
    %dma_wait3A_144 = arith.constant 3 : i32
    %dma_wait3A_145 = arith.constant 3 : i32
    %dma_wait3A_146 = arith.constant 300 : i32
    %dma_wait3A_147 = arith.constant 0 : i32
    %dma_wait3A_148 = tpu.memref_slice %arg6[%dma_wait3A_146, %dma_wait3A_147] : memref<400x128xf32, #tpu.memory_space<vmem>> -> memref<100x128xf32, #tpu.memory_space<vmem>>
    %dma_wait3A_149 = arith.constant 0 : i32
    %dma_wait3A_150 = tpu.memref_slice %arg5[%dma_wait3A_144, %dma_wait3A_149] : memref<64x100xi32, #tpu.memory_space<vmem>> -> memref<1x100xi32, #tpu.memory_space<vmem>>
    %dma_wait3A_151 = tpu.memref_squeeze %dma_wait3A_150 : memref<1x100xi32, #tpu.memory_space<vmem>> -> memref<100xi32, #tpu.memory_space<vmem>>
    %dma_wait3A_152 = arith.constant 0 : i32
    %dma_wait3A_153 = arith.constant 0 : i32
    %dma_wait3A_154 = tpu.memref_slice %arg3[%dma_wait3A_152, %dma_wait3A_153] : memref<1000000x128xf32, #tpu.memory_space<hbm>> -> memref<1000000x128xf32, #tpu.memory_space<hbm>>
    %dma_wait3A_155 = tpu.memref_slice %arg8[%dma_wait3A_145] : memref<4x!tpu.dma_semaphore, #tpu.memory_space<semaphore_mem>> -> memref<1x!tpu.dma_semaphore, #tpu.memory_space<semaphore_mem>>
    %dma_wait3A_156 = tpu.memref_squeeze %dma_wait3A_155 : memref<1x!tpu.dma_semaphore, #tpu.memory_space<semaphore_mem>> -> memref<!tpu.dma_semaphore, #tpu.memory_space<semaphore_mem>>
    tpu.wait_indirect_dma semaphore(%dma_wait3A_156 : memref<!tpu.dma_semaphore, #tpu.memory_space<semaphore_mem>>) src(%dma_wait3A_154 : memref<1000000x128xf32, #tpu.memory_space<hbm>>) dst(%dma_wait3A_148 : memref<100x128xf32, #tpu.memory_space<vmem>>)
    %add3A_157 = arith.constant 0 : i32
    %add3A_158 = arith.addi %mul3A_2, %add3A_157 : i32
    %dma_start3A_159 = arith.constant 0 : i32
    %dma_start3A_160 = tpu.memref_slice %arg4[%add3A_158, %dma_start3A_159] : memref<204800x128xf32, #tpu.memory_space<hbm>> -> memref<400x128xf32, #tpu.memory_space<hbm>>
    %dma_start3A_161 = arith.constant 0 : i32
    %dma_start3A_162 = tpu.memref_slice %arg4[%add3A_158, %dma_start3A_161] : memref<204800x128xf32, #tpu.memory_space<hbm>> -> memref<400x128xf32, #tpu.memory_space<hbm>>
    tpu.enqueue_dma source(%arg6 : memref<400x128xf32, #tpu.memory_space<vmem>>) target(%dma_start3A_162 : memref<400x128xf32, #tpu.memory_space<hbm>>) target_semaphore(%arg10 : memref<!tpu.dma_semaphore, #tpu.memory_space<semaphore_mem>>)
    %dma_wait3A_163 = arith.constant 4 : i32
    %dma_wait3A_164 = arith.constant 0 : i32
    %dma_wait3A_165 = arith.constant 0 : i32
    %dma_wait3A_166 = arith.constant 0 : i32
    %dma_wait3A_167 = tpu.memref_slice %arg7[%dma_wait3A_165, %dma_wait3A_166] : memref<400x128xf32, #tpu.memory_space<vmem>> -> memref<100x128xf32, #tpu.memory_space<vmem>>
    %dma_wait3A_168 = arith.constant 0 : i32
    %dma_wait3A_169 = tpu.memref_slice %arg5[%dma_wait3A_163, %dma_wait3A_168] : memref<64x100xi32, #tpu.memory_space<vmem>> -> memref<1x100xi32, #tpu.memory_space<vmem>>
    %dma_wait3A_170 = tpu.memref_squeeze %dma_wait3A_169 : memref<1x100xi32, #tpu.memory_space<vmem>> -> memref<100xi32, #tpu.memory_space<vmem>>
    %dma_wait3A_171 = arith.constant 0 : i32
    %dma_wait3A_172 = arith.constant 0 : i32
    %dma_wait3A_173 = tpu.memref_slice %arg3[%dma_wait3A_171, %dma_wait3A_172] : memref<1000000x128xf32, #tpu.memory_space<hbm>> -> memref<1000000x128xf32, #tpu.memory_space<hbm>>
    %dma_wait3A_174 = tpu.memref_slice %arg9[%dma_wait3A_164] : memref<4x!tpu.dma_semaphore, #tpu.memory_space<semaphore_mem>> -> memref<1x!tpu.dma_semaphore, #tpu.memory_space<semaphore_mem>>
    %dma_wait3A_175 = tpu.memref_squeeze %dma_wait3A_174 : memref<1x!tpu.dma_semaphore, #tpu.memory_space<semaphore_mem>> -> memref<!tpu.dma_semaphore, #tpu.memory_space<semaphore_mem>>
    tpu.wait_indirect_dma semaphore(%dma_wait3A_175 : memref<!tpu.dma_semaphore, #tpu.memory_space<semaphore_mem>>) src(%dma_wait3A_173 : memref<1000000x128xf32, #tpu.memory_space<hbm>>) dst(%dma_wait3A_167 : memref<100x128xf32, #tpu.memory_space<vmem>>)
    %dma_wait3A_176 = arith.constant 5 : i32
    %dma_wait3A_177 = arith.constant 1 : i32
    %dma_wait3A_178 = arith.constant 100 : i32
    %dma_wait3A_179 = arith.constant 0 : i32
    %dma_wait3A_180 = tpu.memref_slice %arg7[%dma_wait3A_178, %dma_wait3A_179] : memref<400x128xf32, #tpu.memory_space<vmem>> -> memref<100x128xf32, #tpu.memory_space<vmem>>
    %dma_wait3A_181 = arith.constant 0 : i32
    %dma_wait3A_182 = tpu.memref_slice %arg5[%dma_wait3A_176, %dma_wait3A_181] : memref<64x100xi32, #tpu.memory_space<vmem>> -> memref<1x100xi32, #tpu.memory_space<vmem>>
    %dma_wait3A_183 = tpu.memref_squeeze %dma_wait3A_182 : memref<1x100xi32, #tpu.memory_space<vmem>> -> memref<100xi32, #tpu.memory_space<vmem>>
    %dma_wait3A_184 = arith.constant 0 : i32
    %dma_wait3A_185 = arith.constant 0 : i32
    %dma_wait3A_186 = tpu.memref_slice %arg3[%dma_wait3A_184, %dma_wait3A_185] : memref<1000000x128xf32, #tpu.memory_space<hbm>> -> memref<1000000x128xf32, #tpu.memory_space<hbm>>
    %dma_wait3A_187 = tpu.memref_slice %arg9[%dma_wait3A_177] : memref<4x!tpu.dma_semaphore, #tpu.memory_space<semaphore_mem>> -> memref<1x!tpu.dma_semaphore, #tpu.memory_space<semaphore_mem>>
    %dma_wait3A_188 = tpu.memref_squeeze %dma_wait3A_187 : memref<1x!tpu.dma_semaphore, #tpu.memory_space<semaphore_mem>> -> memref<!tpu.dma_semaphore, #tpu.memory_space<semaphore_mem>>
    tpu.wait_indirect_dma semaphore(%dma_wait3A_188 : memref<!tpu.dma_semaphore, #tpu.memory_space<semaphore_mem>>) src(%dma_wait3A_186 : memref<1000000x128xf32, #tpu.memory_space<hbm>>) dst(%dma_wait3A_180 : memref<100x128xf32, #tpu.memory_space<vmem>>)
    %dma_wait3A_189 = arith.constant 6 : i32
    %dma_wait3A_190 = arith.constant 2 : i32
    %dma_wait3A_191 = arith.constant 200 : i32
    %dma_wait3A_192 = arith.constant 0 : i32
    %dma_wait3A_193 = tpu.memref_slice %arg7[%dma_wait3A_191, %dma_wait3A_192] : memref<400x128xf32, #tpu.memory_space<vmem>> -> memref<100x128xf32, #tpu.memory_space<vmem>>
    %dma_wait3A_194 = arith.constant 0 : i32
    %dma_wait3A_195 = tpu.memref_slice %arg5[%dma_wait3A_189, %dma_wait3A_194] : memref<64x100xi32, #tpu.memory_space<vmem>> -> memref<1x100xi32, #tpu.memory_space<vmem>>
    %dma_wait3A_196 = tpu.memref_squeeze %dma_wait3A_195 : memref<1x100xi32, #tpu.memory_space<vmem>> -> memref<100xi32, #tpu.memory_space<vmem>>
    %dma_wait3A_197 = arith.constant 0 : i32
    %dma_wait3A_198 = arith.constant 0 : i32
    %dma_wait3A_199 = tpu.memref_slice %arg3[%dma_wait3A_197, %dma_wait3A_198] : memref<1000000x128xf32, #tpu.memory_space<hbm>> -> memref<1000000x128xf32, #tpu.memory_space<hbm>>
    %dma_wait3A_200 = tpu.memref_slice %arg9[%dma_wait3A_190] : memref<4x!tpu.dma_semaphore, #tpu.memory_space<semaphore_mem>> -> memref<1x!tpu.dma_semaphore, #tpu.memory_space<semaphore_mem>>
    %dma_wait3A_201 = tpu.memref_squeeze %dma_wait3A_200 : memref<1x!tpu.dma_semaphore, #tpu.memory_space<semaphore_mem>> -> memref<!tpu.dma_semaphore, #tpu.memory_space<semaphore_mem>>
    tpu.wait_indirect_dma semaphore(%dma_wait3A_201 : memref<!tpu.dma_semaphore, #tpu.memory_space<semaphore_mem>>) src(%dma_wait3A_199 : memref<1000000x128xf32, #tpu.memory_space<hbm>>) dst(%dma_wait3A_193 : memref<100x128xf32, #tpu.memory_space<vmem>>)
    %dma_wait3A_202 = arith.constant 7 : i32
    %dma_wait3A_203 = arith.constant 3 : i32
    %dma_wait3A_204 = arith.constant 300 : i32
    %dma_wait3A_205 = arith.constant 0 : i32
    %dma_wait3A_206 = tpu.memref_slice %arg7[%dma_wait3A_204, %dma_wait3A_205] : memref<400x128xf32, #tpu.memory_space<vmem>> -> memref<100x128xf32, #tpu.memory_space<vmem>>
    %dma_wait3A_207 = arith.constant 0 : i32
    %dma_wait3A_208 = tpu.memref_slice %arg5[%dma_wait3A_202, %dma_wait3A_207] : memref<64x100xi32, #tpu.memory_space<vmem>> -> memref<1x100xi32, #tpu.memory_space<vmem>>
    %dma_wait3A_209 = tpu.memref_squeeze %dma_wait3A_208 : memref<1x100xi32, #tpu.memory_space<vmem>> -> memref<100xi32, #tpu.memory_space<vmem>>
    %dma_wait3A_210 = arith.constant 0 : i32
    %dma_wait3A_211 = arith.constant 0 : i32
    %dma_wait3A_212 = tpu.memref_slice %arg3[%dma_wait3A_210, %dma_wait3A_211] : memref<1000000x128xf32, #tpu.memory_space<hbm>> -> memref<1000000x128xf32, #tpu.memory_space<hbm>>
    %dma_wait3A_213 = tpu.memref_slice %arg9[%dma_wait3A_203] : memref<4x!tpu.dma_semaphore, #tpu.memory_space<semaphore_mem>> -> memref<1x!tpu.dma_semaphore, #tpu.memory_space<semaphore_mem>>
    %dma_wait3A_214 = tpu.memref_squeeze %dma_wait3A_213 : memref<1x!tpu.dma_semaphore, #tpu.memory_space<semaphore_mem>> -> memref<!tpu.dma_semaphore, #tpu.memory_space<semaphore_mem>>
    tpu.wait_indirect_dma semaphore(%dma_wait3A_214 : memref<!tpu.dma_semaphore, #tpu.memory_space<semaphore_mem>>) src(%dma_wait3A_212 : memref<1000000x128xf32, #tpu.memory_space<hbm>>) dst(%dma_wait3A_206 : memref<100x128xf32, #tpu.memory_space<vmem>>)
    %add3A_215 = arith.constant 400 : i32
    %add3A_216 = arith.addi %mul3A_2, %add3A_215 : i32
    %dma_start3A_217 = arith.constant 0 : i32
    %dma_start3A_218 = tpu.memref_slice %arg4[%add3A_216, %dma_start3A_217] : memref<204800x128xf32, #tpu.memory_space<hbm>> -> memref<400x128xf32, #tpu.memory_space<hbm>>
    %dma_start3A_219 = arith.constant 0 : i32
    %dma_start3A_220 = tpu.memref_slice %arg4[%add3A_216, %dma_start3A_219] : memref<204800x128xf32, #tpu.memory_space<hbm>> -> memref<400x128xf32, #tpu.memory_space<hbm>>
    tpu.enqueue_dma source(%arg7 : memref<400x128xf32, #tpu.memory_space<vmem>>) target(%dma_start3A_220 : memref<400x128xf32, #tpu.memory_space<hbm>>) target_semaphore(%arg11 : memref<!tpu.dma_semaphore, #tpu.memory_space<semaphore_mem>>)
    %scan3A = arith.constant 0 : i32
    %scan3A_221 = arith.constant 7 : i32
    %scan3A_222 = arith.addi %scan3A, %scan3A_221 : i32
    %scan3A_223 = arith.constant 1 : i32
    scf.for %scan3A_237 = %scan3A to %scan3A_222 step %scan3A_223  : i32 {
      %mul3A_238 = arith.constant 1 : i32
      %mul3A_239 = arith.muli %scan3A_237, %mul3A_238 : i32
      %add3A_240 = arith.constant 1 : i32
      %add3A_241 = arith.addi %add3A_240, %mul3A_239 : i32
      %mul3A_242 = arith.constant 2 : i32
      %mul3A_243 = arith.muli %mul3A_242, %add3A_241 : i32
      %add3A_244 = arith.constant 1 : i32
      %add3A_245 = arith.addi %mul3A_243, %add3A_244 : i32
      %sub3A = arith.constant 2 : i32
      %sub3A_246 = arith.subi %mul3A_243, %sub3A : i32
      %mul3A_247 = arith.constant 400 : i32
      %mul3A_248 = arith.muli %sub3A_246, %mul3A_247 : i32
      %add3A_249 = arith.addi %mul3A_2, %mul3A_248 : i32
      %dma_wait3A_250 = arith.constant 0 : i32
      %dma_wait3A_251 = tpu.memref_slice %arg4[%add3A_249, %dma_wait3A_250] : memref<204800x128xf32, #tpu.memory_space<hbm>> -> memref<400x128xf32, #tpu.memory_space<hbm>>
      %dma_wait3A_252 = arith.constant 0 : i32
      %dma_wait3A_253 = tpu.memref_slice %arg4[%add3A_249, %dma_wait3A_252] : memref<204800x128xf32, #tpu.memory_space<hbm>> -> memref<400x128xf32, #tpu.memory_space<hbm>>
      tpu.wait_dma2 semaphore(%arg10 : memref<!tpu.dma_semaphore, #tpu.memory_space<semaphore_mem>>) src(%arg6 : memref<400x128xf32, #tpu.memory_space<vmem>>) dst(%dma_wait3A_253 : memref<400x128xf32, #tpu.memory_space<hbm>>)
      %mul3A_254 = arith.constant 4 : i32
      %mul3A_255 = arith.muli %mul3A_243, %mul3A_254 : i32
      %add3A_256 = arith.constant 0 : i32
      %add3A_257 = arith.addi %mul3A_255, %add3A_256 : i32
      %dma_start3A_258 = arith.constant 0 : i32
      %dma_start3A_259 = arith.constant 0 : i32
      %dma_start3A_260 = arith.constant 0 : i32
      %dma_start3A_261 = tpu.memref_slice %arg6[%dma_start3A_259, %dma_start3A_260] : memref<400x128xf32, #tpu.memory_space<vmem>> -> memref<100x128xf32, #tpu.memory_space<vmem>>
      %dma_start3A_262 = arith.constant 0 : i32
      %dma_start3A_263 = tpu.memref_slice %arg5[%add3A_257, %dma_start3A_262] : memref<64x100xi32, #tpu.memory_space<vmem>> -> memref<1x100xi32, #tpu.memory_space<vmem>>
      %dma_start3A_264 = tpu.memref_squeeze %dma_start3A_263 : memref<1x100xi32, #tpu.memory_space<vmem>> -> memref<100xi32, #tpu.memory_space<vmem>>
      %dma_start3A_265 = arith.constant 0 : i32
      %dma_start3A_266 = arith.constant 0 : i32
      %dma_start3A_267 = tpu.memref_slice %arg3[%dma_start3A_265, %dma_start3A_266] : memref<1000000x128xf32, #tpu.memory_space<hbm>> -> memref<1000000x128xf32, #tpu.memory_space<hbm>>
      %dma_start3A_268 = tpu.memref_slice %arg8[%dma_start3A_258] : memref<4x!tpu.dma_semaphore, #tpu.memory_space<semaphore_mem>> -> memref<1x!tpu.dma_semaphore, #tpu.memory_space<semaphore_mem>>
      %dma_start3A_269 = tpu.memref_squeeze %dma_start3A_268 : memref<1x!tpu.dma_semaphore, #tpu.memory_space<semaphore_mem>> -> memref<!tpu.dma_semaphore, #tpu.memory_space<semaphore_mem>>
      tpu.enqueue_indirect_dma source(%dma_start3A_267 : memref<1000000x128xf32, #tpu.memory_space<hbm>>) target(%dma_start3A_261 : memref<100x128xf32, #tpu.memory_space<vmem>>) offsets(%dma_start3A_264 : memref<100xi32, #tpu.memory_space<vmem>>) semaphore(%dma_start3A_269 : memref<!tpu.dma_semaphore, #tpu.memory_space<semaphore_mem>>)
      %mul3A_270 = arith.constant 4 : i32
      %mul3A_271 = arith.muli %mul3A_243, %mul3A_270 : i32
      %add3A_272 = arith.constant 1 : i32
      %add3A_273 = arith.addi %mul3A_271, %add3A_272 : i32
      %dma_start3A_274 = arith.constant 1 : i32
      %dma_start3A_275 = arith.constant 100 : i32
      %dma_start3A_276 = arith.constant 0 : i32
      %dma_start3A_277 = tpu.memref_slice %arg6[%dma_start3A_275, %dma_start3A_276] : memref<400x128xf32, #tpu.memory_space<vmem>> -> memref<100x128xf32, #tpu.memory_space<vmem>>
      %dma_start3A_278 = arith.constant 0 : i32
      %dma_start3A_279 = tpu.memref_slice %arg5[%add3A_273, %dma_start3A_278] : memref<64x100xi32, #tpu.memory_space<vmem>> -> memref<1x100xi32, #tpu.memory_space<vmem>>
      %dma_start3A_280 = tpu.memref_squeeze %dma_start3A_279 : memref<1x100xi32, #tpu.memory_space<vmem>> -> memref<100xi32, #tpu.memory_space<vmem>>
      %dma_start3A_281 = arith.constant 0 : i32
      %dma_start3A_282 = arith.constant 0 : i32
      %dma_start3A_283 = tpu.memref_slice %arg3[%dma_start3A_281, %dma_start3A_282] : memref<1000000x128xf32, #tpu.memory_space<hbm>> -> memref<1000000x128xf32, #tpu.memory_space<hbm>>
      %dma_start3A_284 = tpu.memref_slice %arg8[%dma_start3A_274] : memref<4x!tpu.dma_semaphore, #tpu.memory_space<semaphore_mem>> -> memref<1x!tpu.dma_semaphore, #tpu.memory_space<semaphore_mem>>
      %dma_start3A_285 = tpu.memref_squeeze %dma_start3A_284 : memref<1x!tpu.dma_semaphore, #tpu.memory_space<semaphore_mem>> -> memref<!tpu.dma_semaphore, #tpu.memory_space<semaphore_mem>>
      tpu.enqueue_indirect_dma source(%dma_start3A_283 : memref<1000000x128xf32, #tpu.memory_space<hbm>>) target(%dma_start3A_277 : memref<100x128xf32, #tpu.memory_space<vmem>>) offsets(%dma_start3A_280 : memref<100xi32, #tpu.memory_space<vmem>>) semaphore(%dma_start3A_285 : memref<!tpu.dma_semaphore, #tpu.memory_space<semaphore_mem>>)
      %mul3A_286 = arith.constant 4 : i32
      %mul3A_287 = arith.muli %mul3A_243, %mul3A_286 : i32
      %add3A_288 = arith.constant 2 : i32
      %add3A_289 = arith.addi %mul3A_287, %add3A_288 : i32
      %dma_start3A_290 = arith.constant 2 : i32
      %dma_start3A_291 = arith.constant 200 : i32
      %dma_start3A_292 = arith.constant 0 : i32
      %dma_start3A_293 = tpu.memref_slice %arg6[%dma_start3A_291, %dma_start3A_292] : memref<400x128xf32, #tpu.memory_space<vmem>> -> memref<100x128xf32, #tpu.memory_space<vmem>>
      %dma_start3A_294 = arith.constant 0 : i32
      %dma_start3A_295 = tpu.memref_slice %arg5[%add3A_289, %dma_start3A_294] : memref<64x100xi32, #tpu.memory_space<vmem>> -> memref<1x100xi32, #tpu.memory_space<vmem>>
      %dma_start3A_296 = tpu.memref_squeeze %dma_start3A_295 : memref<1x100xi32, #tpu.memory_space<vmem>> -> memref<100xi32, #tpu.memory_space<vmem>>
      %dma_start3A_297 = arith.constant 0 : i32
      %dma_start3A_298 = arith.constant 0 : i32
      %dma_start3A_299 = tpu.memref_slice %arg3[%dma_start3A_297, %dma_start3A_298] : memref<1000000x128xf32, #tpu.memory_space<hbm>> -> memref<1000000x128xf32, #tpu.memory_space<hbm>>
      %dma_start3A_300 = tpu.memref_slice %arg8[%dma_start3A_290] : memref<4x!tpu.dma_semaphore, #tpu.memory_space<semaphore_mem>> -> memref<1x!tpu.dma_semaphore, #tpu.memory_space<semaphore_mem>>
      %dma_start3A_301 = tpu.memref_squeeze %dma_start3A_300 : memref<1x!tpu.dma_semaphore, #tpu.memory_space<semaphore_mem>> -> memref<!tpu.dma_semaphore, #tpu.memory_space<semaphore_mem>>
      tpu.enqueue_indirect_dma source(%dma_start3A_299 : memref<1000000x128xf32, #tpu.memory_space<hbm>>) target(%dma_start3A_293 : memref<100x128xf32, #tpu.memory_space<vmem>>) offsets(%dma_start3A_296 : memref<100xi32, #tpu.memory_space<vmem>>) semaphore(%dma_start3A_301 : memref<!tpu.dma_semaphore, #tpu.memory_space<semaphore_mem>>)
      %mul3A_302 = arith.constant 4 : i32
      %mul3A_303 = arith.muli %mul3A_243, %mul3A_302 : i32
      %add3A_304 = arith.constant 3 : i32
      %add3A_305 = arith.addi %mul3A_303, %add3A_304 : i32
      %dma_start3A_306 = arith.constant 3 : i32
      %dma_start3A_307 = arith.constant 300 : i32
      %dma_start3A_308 = arith.constant 0 : i32
      %dma_start3A_309 = tpu.memref_slice %arg6[%dma_start3A_307, %dma_start3A_308] : memref<400x128xf32, #tpu.memory_space<vmem>> -> memref<100x128xf32, #tpu.memory_space<vmem>>
      %dma_start3A_310 = arith.constant 0 : i32
      %dma_start3A_311 = tpu.memref_slice %arg5[%add3A_305, %dma_start3A_310] : memref<64x100xi32, #tpu.memory_space<vmem>> -> memref<1x100xi32, #tpu.memory_space<vmem>>
      %dma_start3A_312 = tpu.memref_squeeze %dma_start3A_311 : memref<1x100xi32, #tpu.memory_space<vmem>> -> memref<100xi32, #tpu.memory_space<vmem>>
      %dma_start3A_313 = arith.constant 0 : i32
      %dma_start3A_314 = arith.constant 0 : i32
      %dma_start3A_315 = tpu.memref_slice %arg3[%dma_start3A_313, %dma_start3A_314] : memref<1000000x128xf32, #tpu.memory_space<hbm>> -> memref<1000000x128xf32, #tpu.memory_space<hbm>>
      %dma_start3A_316 = tpu.memref_slice %arg8[%dma_start3A_306] : memref<4x!tpu.dma_semaphore, #tpu.memory_space<semaphore_mem>> -> memref<1x!tpu.dma_semaphore, #tpu.memory_space<semaphore_mem>>
      %dma_start3A_317 = tpu.memref_squeeze %dma_start3A_316 : memref<1x!tpu.dma_semaphore, #tpu.memory_space<semaphore_mem>> -> memref<!tpu.dma_semaphore, #tpu.memory_space<semaphore_mem>>
      tpu.enqueue_indirect_dma source(%dma_start3A_315 : memref<1000000x128xf32, #tpu.memory_space<hbm>>) target(%dma_start3A_309 : memref<100x128xf32, #tpu.memory_space<vmem>>) offsets(%dma_start3A_312 : memref<100xi32, #tpu.memory_space<vmem>>) semaphore(%dma_start3A_317 : memref<!tpu.dma_semaphore, #tpu.memory_space<semaphore_mem>>)
      %sub3A_318 = arith.constant 2 : i32
      %sub3A_319 = arith.subi %add3A_245, %sub3A_318 : i32
      %mul3A_320 = arith.constant 400 : i32
      %mul3A_321 = arith.muli %sub3A_319, %mul3A_320 : i32
      %add3A_322 = arith.addi %mul3A_2, %mul3A_321 : i32
      %dma_wait3A_323 = arith.constant 0 : i32
      %dma_wait3A_324 = tpu.memref_slice %arg4[%add3A_322, %dma_wait3A_323] : memref<204800x128xf32, #tpu.memory_space<hbm>> -> memref<400x128xf32, #tpu.memory_space<hbm>>
      %dma_wait3A_325 = arith.constant 0 : i32
      %dma_wait3A_326 = tpu.memref_slice %arg4[%add3A_322, %dma_wait3A_325] : memref<204800x128xf32, #tpu.memory_space<hbm>> -> memref<400x128xf32, #tpu.memory_space<hbm>>
      tpu.wait_dma2 semaphore(%arg11 : memref<!tpu.dma_semaphore, #tpu.memory_space<semaphore_mem>>) src(%arg7 : memref<400x128xf32, #tpu.memory_space<vmem>>) dst(%dma_wait3A_326 : memref<400x128xf32, #tpu.memory_space<hbm>>)
      %mul3A_327 = arith.constant 4 : i32
      %mul3A_328 = arith.muli %add3A_245, %mul3A_327 : i32
      %add3A_329 = arith.constant 0 : i32
      %add3A_330 = arith.addi %mul3A_328, %add3A_329 : i32
      %dma_start3A_331 = arith.constant 0 : i32
      %dma_start3A_332 = arith.constant 0 : i32
      %dma_start3A_333 = arith.constant 0 : i32
      %dma_start3A_334 = tpu.memref_slice %arg7[%dma_start3A_332, %dma_start3A_333] : memref<400x128xf32, #tpu.memory_space<vmem>> -> memref<100x128xf32, #tpu.memory_space<vmem>>
      %dma_start3A_335 = arith.constant 0 : i32
      %dma_start3A_336 = tpu.memref_slice %arg5[%add3A_330, %dma_start3A_335] : memref<64x100xi32, #tpu.memory_space<vmem>> -> memref<1x100xi32, #tpu.memory_space<vmem>>
      %dma_start3A_337 = tpu.memref_squeeze %dma_start3A_336 : memref<1x100xi32, #tpu.memory_space<vmem>> -> memref<100xi32, #tpu.memory_space<vmem>>
      %dma_start3A_338 = arith.constant 0 : i32
      %dma_start3A_339 = arith.constant 0 : i32
      %dma_start3A_340 = tpu.memref_slice %arg3[%dma_start3A_338, %dma_start3A_339] : memref<1000000x128xf32, #tpu.memory_space<hbm>> -> memref<1000000x128xf32, #tpu.memory_space<hbm>>
      %dma_start3A_341 = tpu.memref_slice %arg9[%dma_start3A_331] : memref<4x!tpu.dma_semaphore, #tpu.memory_space<semaphore_mem>> -> memref<1x!tpu.dma_semaphore, #tpu.memory_space<semaphore_mem>>
      %dma_start3A_342 = tpu.memref_squeeze %dma_start3A_341 : memref<1x!tpu.dma_semaphore, #tpu.memory_space<semaphore_mem>> -> memref<!tpu.dma_semaphore, #tpu.memory_space<semaphore_mem>>
      tpu.enqueue_indirect_dma source(%dma_start3A_340 : memref<1000000x128xf32, #tpu.memory_space<hbm>>) target(%dma_start3A_334 : memref<100x128xf32, #tpu.memory_space<vmem>>) offsets(%dma_start3A_337 : memref<100xi32, #tpu.memory_space<vmem>>) semaphore(%dma_start3A_342 : memref<!tpu.dma_semaphore, #tpu.memory_space<semaphore_mem>>)
      %mul3A_343 = arith.constant 4 : i32
      %mul3A_344 = arith.muli %add3A_245, %mul3A_343 : i32
      %add3A_345 = arith.constant 1 : i32
      %add3A_346 = arith.addi %mul3A_344, %add3A_345 : i32
      %dma_start3A_347 = arith.constant 1 : i32
      %dma_start3A_348 = arith.constant 100 : i32
      %dma_start3A_349 = arith.constant 0 : i32
      %dma_start3A_350 = tpu.memref_slice %arg7[%dma_start3A_348, %dma_start3A_349] : memref<400x128xf32, #tpu.memory_space<vmem>> -> memref<100x128xf32, #tpu.memory_space<vmem>>
      %dma_start3A_351 = arith.constant 0 : i32
      %dma_start3A_352 = tpu.memref_slice %arg5[%add3A_346, %dma_start3A_351] : memref<64x100xi32, #tpu.memory_space<vmem>> -> memref<1x100xi32, #tpu.memory_space<vmem>>
      %dma_start3A_353 = tpu.memref_squeeze %dma_start3A_352 : memref<1x100xi32, #tpu.memory_space<vmem>> -> memref<100xi32, #tpu.memory_space<vmem>>
      %dma_start3A_354 = arith.constant 0 : i32
      %dma_start3A_355 = arith.constant 0 : i32
      %dma_start3A_356 = tpu.memref_slice %arg3[%dma_start3A_354, %dma_start3A_355] : memref<1000000x128xf32, #tpu.memory_space<hbm>> -> memref<1000000x128xf32, #tpu.memory_space<hbm>>
      %dma_start3A_357 = tpu.memref_slice %arg9[%dma_start3A_347] : memref<4x!tpu.dma_semaphore, #tpu.memory_space<semaphore_mem>> -> memref<1x!tpu.dma_semaphore, #tpu.memory_space<semaphore_mem>>
      %dma_start3A_358 = tpu.memref_squeeze %dma_start3A_357 : memref<1x!tpu.dma_semaphore, #tpu.memory_space<semaphore_mem>> -> memref<!tpu.dma_semaphore, #tpu.memory_space<semaphore_mem>>
      tpu.enqueue_indirect_dma source(%dma_start3A_356 : memref<1000000x128xf32, #tpu.memory_space<hbm>>) target(%dma_start3A_350 : memref<100x128xf32, #tpu.memory_space<vmem>>) offsets(%dma_start3A_353 : memref<100xi32, #tpu.memory_space<vmem>>) semaphore(%dma_start3A_358 : memref<!tpu.dma_semaphore, #tpu.memory_space<semaphore_mem>>)
      %mul3A_359 = arith.constant 4 : i32
      %mul3A_360 = arith.muli %add3A_245, %mul3A_359 : i32
      %add3A_361 = arith.constant 2 : i32
      %add3A_362 = arith.addi %mul3A_360, %add3A_361 : i32
      %dma_start3A_363 = arith.constant 2 : i32
      %dma_start3A_364 = arith.constant 200 : i32
      %dma_start3A_365 = arith.constant 0 : i32
      %dma_start3A_366 = tpu.memref_slice %arg7[%dma_start3A_364, %dma_start3A_365] : memref<400x128xf32, #tpu.memory_space<vmem>> -> memref<100x128xf32, #tpu.memory_space<vmem>>
      %dma_start3A_367 = arith.constant 0 : i32
      %dma_start3A_368 = tpu.memref_slice %arg5[%add3A_362, %dma_start3A_367] : memref<64x100xi32, #tpu.memory_space<vmem>> -> memref<1x100xi32, #tpu.memory_space<vmem>>
      %dma_start3A_369 = tpu.memref_squeeze %dma_start3A_368 : memref<1x100xi32, #tpu.memory_space<vmem>> -> memref<100xi32, #tpu.memory_space<vmem>>
      %dma_start3A_370 = arith.constant 0 : i32
      %dma_start3A_371 = arith.constant 0 : i32
      %dma_start3A_372 = tpu.memref_slice %arg3[%dma_start3A_370, %dma_start3A_371] : memref<1000000x128xf32, #tpu.memory_space<hbm>> -> memref<1000000x128xf32, #tpu.memory_space<hbm>>
      %dma_start3A_373 = tpu.memref_slice %arg9[%dma_start3A_363] : memref<4x!tpu.dma_semaphore, #tpu.memory_space<semaphore_mem>> -> memref<1x!tpu.dma_semaphore, #tpu.memory_space<semaphore_mem>>
      %dma_start3A_374 = tpu.memref_squeeze %dma_start3A_373 : memref<1x!tpu.dma_semaphore, #tpu.memory_space<semaphore_mem>> -> memref<!tpu.dma_semaphore, #tpu.memory_space<semaphore_mem>>
      tpu.enqueue_indirect_dma source(%dma_start3A_372 : memref<1000000x128xf32, #tpu.memory_space<hbm>>) target(%dma_start3A_366 : memref<100x128xf32, #tpu.memory_space<vmem>>) offsets(%dma_start3A_369 : memref<100xi32, #tpu.memory_space<vmem>>) semaphore(%dma_start3A_374 : memref<!tpu.dma_semaphore, #tpu.memory_space<semaphore_mem>>)
      %mul3A_375 = arith.constant 4 : i32
      %mul3A_376 = arith.muli %add3A_245, %mul3A_375 : i32
      %add3A_377 = arith.constant 3 : i32
      %add3A_378 = arith.addi %mul3A_376, %add3A_377 : i32
      %dma_start3A_379 = arith.constant 3 : i32
      %dma_start3A_380 = arith.constant 300 : i32
      %dma_start3A_381 = arith.constant 0 : i32
      %dma_start3A_382 = tpu.memref_slice %arg7[%dma_start3A_380, %dma_start3A_381] : memref<400x128xf32, #tpu.memory_space<vmem>> -> memref<100x128xf32, #tpu.memory_space<vmem>>
      %dma_start3A_383 = arith.constant 0 : i32
      %dma_start3A_384 = tpu.memref_slice %arg5[%add3A_378, %dma_start3A_383] : memref<64x100xi32, #tpu.memory_space<vmem>> -> memref<1x100xi32, #tpu.memory_space<vmem>>
      %dma_start3A_385 = tpu.memref_squeeze %dma_start3A_384 : memref<1x100xi32, #tpu.memory_space<vmem>> -> memref<100xi32, #tpu.memory_space<vmem>>
      %dma_start3A_386 = arith.constant 0 : i32
      %dma_start3A_387 = arith.constant 0 : i32
      %dma_start3A_388 = tpu.memref_slice %arg3[%dma_start3A_386, %dma_start3A_387] : memref<1000000x128xf32, #tpu.memory_space<hbm>> -> memref<1000000x128xf32, #tpu.memory_space<hbm>>
      %dma_start3A_389 = tpu.memref_slice %arg9[%dma_start3A_379] : memref<4x!tpu.dma_semaphore, #tpu.memory_space<semaphore_mem>> -> memref<1x!tpu.dma_semaphore, #tpu.memory_space<semaphore_mem>>
      %dma_start3A_390 = tpu.memref_squeeze %dma_start3A_389 : memref<1x!tpu.dma_semaphore, #tpu.memory_space<semaphore_mem>> -> memref<!tpu.dma_semaphore, #tpu.memory_space<semaphore_mem>>
      tpu.enqueue_indirect_dma source(%dma_start3A_388 : memref<1000000x128xf32, #tpu.memory_space<hbm>>) target(%dma_start3A_382 : memref<100x128xf32, #tpu.memory_space<vmem>>) offsets(%dma_start3A_385 : memref<100xi32, #tpu.memory_space<vmem>>) semaphore(%dma_start3A_390 : memref<!tpu.dma_semaphore, #tpu.memory_space<semaphore_mem>>)
      %dma_wait3A_391 = arith.constant 0 : i32
      %dma_wait3A_392 = arith.constant 0 : i32
      %dma_wait3A_393 = arith.constant 0 : i32
      %dma_wait3A_394 = tpu.memref_slice %arg6[%dma_wait3A_392, %dma_wait3A_393] : memref<400x128xf32, #tpu.memory_space<vmem>> -> memref<100x128xf32, #tpu.memory_space<vmem>>
      %dma_wait3A_395 = arith.constant 0 : i32
      %dma_wait3A_396 = tpu.memref_slice %arg5[%add3A_257, %dma_wait3A_395] : memref<64x100xi32, #tpu.memory_space<vmem>> -> memref<1x100xi32, #tpu.memory_space<vmem>>
      %dma_wait3A_397 = tpu.memref_squeeze %dma_wait3A_396 : memref<1x100xi32, #tpu.memory_space<vmem>> -> memref<100xi32, #tpu.memory_space<vmem>>
      %dma_wait3A_398 = arith.constant 0 : i32
      %dma_wait3A_399 = arith.constant 0 : i32
      %dma_wait3A_400 = tpu.memref_slice %arg3[%dma_wait3A_398, %dma_wait3A_399] : memref<1000000x128xf32, #tpu.memory_space<hbm>> -> memref<1000000x128xf32, #tpu.memory_space<hbm>>
      %dma_wait3A_401 = tpu.memref_slice %arg8[%dma_wait3A_391] : memref<4x!tpu.dma_semaphore, #tpu.memory_space<semaphore_mem>> -> memref<1x!tpu.dma_semaphore, #tpu.memory_space<semaphore_mem>>
      %dma_wait3A_402 = tpu.memref_squeeze %dma_wait3A_401 : memref<1x!tpu.dma_semaphore, #tpu.memory_space<semaphore_mem>> -> memref<!tpu.dma_semaphore, #tpu.memory_space<semaphore_mem>>
      tpu.wait_indirect_dma semaphore(%dma_wait3A_402 : memref<!tpu.dma_semaphore, #tpu.memory_space<semaphore_mem>>) src(%dma_wait3A_400 : memref<1000000x128xf32, #tpu.memory_space<hbm>>) dst(%dma_wait3A_394 : memref<100x128xf32, #tpu.memory_space<vmem>>)
      %dma_wait3A_403 = arith.constant 1 : i32
      %dma_wait3A_404 = arith.constant 100 : i32
      %dma_wait3A_405 = arith.constant 0 : i32
      %dma_wait3A_406 = tpu.memref_slice %arg6[%dma_wait3A_404, %dma_wait3A_405] : memref<400x128xf32, #tpu.memory_space<vmem>> -> memref<100x128xf32, #tpu.memory_space<vmem>>
      %dma_wait3A_407 = arith.constant 0 : i32
      %dma_wait3A_408 = tpu.memref_slice %arg5[%add3A_273, %dma_wait3A_407] : memref<64x100xi32, #tpu.memory_space<vmem>> -> memref<1x100xi32, #tpu.memory_space<vmem>>
      %dma_wait3A_409 = tpu.memref_squeeze %dma_wait3A_408 : memref<1x100xi32, #tpu.memory_space<vmem>> -> memref<100xi32, #tpu.memory_space<vmem>>
      %dma_wait3A_410 = arith.constant 0 : i32
      %dma_wait3A_411 = arith.constant 0 : i32
      %dma_wait3A_412 = tpu.memref_slice %arg3[%dma_wait3A_410, %dma_wait3A_411] : memref<1000000x128xf32, #tpu.memory_space<hbm>> -> memref<1000000x128xf32, #tpu.memory_space<hbm>>
      %dma_wait3A_413 = tpu.memref_slice %arg8[%dma_wait3A_403] : memref<4x!tpu.dma_semaphore, #tpu.memory_space<semaphore_mem>> -> memref<1x!tpu.dma_semaphore, #tpu.memory_space<semaphore_mem>>
      %dma_wait3A_414 = tpu.memref_squeeze %dma_wait3A_413 : memref<1x!tpu.dma_semaphore, #tpu.memory_space<semaphore_mem>> -> memref<!tpu.dma_semaphore, #tpu.memory_space<semaphore_mem>>
      tpu.wait_indirect_dma semaphore(%dma_wait3A_414 : memref<!tpu.dma_semaphore, #tpu.memory_space<semaphore_mem>>) src(%dma_wait3A_412 : memref<1000000x128xf32, #tpu.memory_space<hbm>>) dst(%dma_wait3A_406 : memref<100x128xf32, #tpu.memory_space<vmem>>)
      %dma_wait3A_415 = arith.constant 2 : i32
      %dma_wait3A_416 = arith.constant 200 : i32
      %dma_wait3A_417 = arith.constant 0 : i32
      %dma_wait3A_418 = tpu.memref_slice %arg6[%dma_wait3A_416, %dma_wait3A_417] : memref<400x128xf32, #tpu.memory_space<vmem>> -> memref<100x128xf32, #tpu.memory_space<vmem>>
      %dma_wait3A_419 = arith.constant 0 : i32
      %dma_wait3A_420 = tpu.memref_slice %arg5[%add3A_289, %dma_wait3A_419] : memref<64x100xi32, #tpu.memory_space<vmem>> -> memref<1x100xi32, #tpu.memory_space<vmem>>
      %dma_wait3A_421 = tpu.memref_squeeze %dma_wait3A_420 : memref<1x100xi32, #tpu.memory_space<vmem>> -> memref<100xi32, #tpu.memory_space<vmem>>
      %dma_wait3A_422 = arith.constant 0 : i32
      %dma_wait3A_423 = arith.constant 0 : i32
      %dma_wait3A_424 = tpu.memref_slice %arg3[%dma_wait3A_422, %dma_wait3A_423] : memref<1000000x128xf32, #tpu.memory_space<hbm>> -> memref<1000000x128xf32, #tpu.memory_space<hbm>>
      %dma_wait3A_425 = tpu.memref_slice %arg8[%dma_wait3A_415] : memref<4x!tpu.dma_semaphore, #tpu.memory_space<semaphore_mem>> -> memref<1x!tpu.dma_semaphore, #tpu.memory_space<semaphore_mem>>
      %dma_wait3A_426 = tpu.memref_squeeze %dma_wait3A_425 : memref<1x!tpu.dma_semaphore, #tpu.memory_space<semaphore_mem>> -> memref<!tpu.dma_semaphore, #tpu.memory_space<semaphore_mem>>
      tpu.wait_indirect_dma semaphore(%dma_wait3A_426 : memref<!tpu.dma_semaphore, #tpu.memory_space<semaphore_mem>>) src(%dma_wait3A_424 : memref<1000000x128xf32, #tpu.memory_space<hbm>>) dst(%dma_wait3A_418 : memref<100x128xf32, #tpu.memory_space<vmem>>)
      %dma_wait3A_427 = arith.constant 3 : i32
      %dma_wait3A_428 = arith.constant 300 : i32
      %dma_wait3A_429 = arith.constant 0 : i32
      %dma_wait3A_430 = tpu.memref_slice %arg6[%dma_wait3A_428, %dma_wait3A_429] : memref<400x128xf32, #tpu.memory_space<vmem>> -> memref<100x128xf32, #tpu.memory_space<vmem>>
      %dma_wait3A_431 = arith.constant 0 : i32
      %dma_wait3A_432 = tpu.memref_slice %arg5[%add3A_305, %dma_wait3A_431] : memref<64x100xi32, #tpu.memory_space<vmem>> -> memref<1x100xi32, #tpu.memory_space<vmem>>
      %dma_wait3A_433 = tpu.memref_squeeze %dma_wait3A_432 : memref<1x100xi32, #tpu.memory_space<vmem>> -> memref<100xi32, #tpu.memory_space<vmem>>
      %dma_wait3A_434 = arith.constant 0 : i32
      %dma_wait3A_435 = arith.constant 0 : i32
      %dma_wait3A_436 = tpu.memref_slice %arg3[%dma_wait3A_434, %dma_wait3A_435] : memref<1000000x128xf32, #tpu.memory_space<hbm>> -> memref<1000000x128xf32, #tpu.memory_space<hbm>>
      %dma_wait3A_437 = tpu.memref_slice %arg8[%dma_wait3A_427] : memref<4x!tpu.dma_semaphore, #tpu.memory_space<semaphore_mem>> -> memref<1x!tpu.dma_semaphore, #tpu.memory_space<semaphore_mem>>
      %dma_wait3A_438 = tpu.memref_squeeze %dma_wait3A_437 : memref<1x!tpu.dma_semaphore, #tpu.memory_space<semaphore_mem>> -> memref<!tpu.dma_semaphore, #tpu.memory_space<semaphore_mem>>
      tpu.wait_indirect_dma semaphore(%dma_wait3A_438 : memref<!tpu.dma_semaphore, #tpu.memory_space<semaphore_mem>>) src(%dma_wait3A_436 : memref<1000000x128xf32, #tpu.memory_space<hbm>>) dst(%dma_wait3A_430 : memref<100x128xf32, #tpu.memory_space<vmem>>)
      %mul3A_439 = arith.constant 400 : i32
      %mul3A_440 = arith.muli %mul3A_243, %mul3A_439 : i32
      %add3A_441 = arith.addi %mul3A_2, %mul3A_440 : i32
      %dma_start3A_442 = arith.constant 0 : i32
      %dma_start3A_443 = tpu.memref_slice %arg4[%add3A_441, %dma_start3A_442] : memref<204800x128xf32, #tpu.memory_space<hbm>> -> memref<400x128xf32, #tpu.memory_space<hbm>>
      %dma_start3A_444 = arith.constant 0 : i32
      %dma_start3A_445 = tpu.memref_slice %arg4[%add3A_441, %dma_start3A_444] : memref<204800x128xf32, #tpu.memory_space<hbm>> -> memref<400x128xf32, #tpu.memory_space<hbm>>
      tpu.enqueue_dma source(%arg6 : memref<400x128xf32, #tpu.memory_space<vmem>>) target(%dma_start3A_445 : memref<400x128xf32, #tpu.memory_space<hbm>>) target_semaphore(%arg10 : memref<!tpu.dma_semaphore, #tpu.memory_space<semaphore_mem>>)
      %dma_wait3A_446 = arith.constant 0 : i32
      %dma_wait3A_447 = arith.constant 0 : i32
      %dma_wait3A_448 = arith.constant 0 : i32
      %dma_wait3A_449 = tpu.memref_slice %arg7[%dma_wait3A_447, %dma_wait3A_448] : memref<400x128xf32, #tpu.memory_space<vmem>> -> memref<100x128xf32, #tpu.memory_space<vmem>>
      %dma_wait3A_450 = arith.constant 0 : i32
      %dma_wait3A_451 = tpu.memref_slice %arg5[%add3A_330, %dma_wait3A_450] : memref<64x100xi32, #tpu.memory_space<vmem>> -> memref<1x100xi32, #tpu.memory_space<vmem>>
      %dma_wait3A_452 = tpu.memref_squeeze %dma_wait3A_451 : memref<1x100xi32, #tpu.memory_space<vmem>> -> memref<100xi32, #tpu.memory_space<vmem>>
      %dma_wait3A_453 = arith.constant 0 : i32
      %dma_wait3A_454 = arith.constant 0 : i32
      %dma_wait3A_455 = tpu.memref_slice %arg3[%dma_wait3A_453, %dma_wait3A_454] : memref<1000000x128xf32, #tpu.memory_space<hbm>> -> memref<1000000x128xf32, #tpu.memory_space<hbm>>
      %dma_wait3A_456 = tpu.memref_slice %arg9[%dma_wait3A_446] : memref<4x!tpu.dma_semaphore, #tpu.memory_space<semaphore_mem>> -> memref<1x!tpu.dma_semaphore, #tpu.memory_space<semaphore_mem>>
      %dma_wait3A_457 = tpu.memref_squeeze %dma_wait3A_456 : memref<1x!tpu.dma_semaphore, #tpu.memory_space<semaphore_mem>> -> memref<!tpu.dma_semaphore, #tpu.memory_space<semaphore_mem>>
      tpu.wait_indirect_dma semaphore(%dma_wait3A_457 : memref<!tpu.dma_semaphore, #tpu.memory_space<semaphore_mem>>) src(%dma_wait3A_455 : memref<1000000x128xf32, #tpu.memory_space<hbm>>) dst(%dma_wait3A_449 : memref<100x128xf32, #tpu.memory_space<vmem>>)
      %dma_wait3A_458 = arith.constant 1 : i32
      %dma_wait3A_459 = arith.constant 100 : i32
      %dma_wait3A_460 = arith.constant 0 : i32
      %dma_wait3A_461 = tpu.memref_slice %arg7[%dma_wait3A_459, %dma_wait3A_460] : memref<400x128xf32, #tpu.memory_space<vmem>> -> memref<100x128xf32, #tpu.memory_space<vmem>>
      %dma_wait3A_462 = arith.constant 0 : i32
      %dma_wait3A_463 = tpu.memref_slice %arg5[%add3A_346, %dma_wait3A_462] : memref<64x100xi32, #tpu.memory_space<vmem>> -> memref<1x100xi32, #tpu.memory_space<vmem>>
      %dma_wait3A_464 = tpu.memref_squeeze %dma_wait3A_463 : memref<1x100xi32, #tpu.memory_space<vmem>> -> memref<100xi32, #tpu.memory_space<vmem>>
      %dma_wait3A_465 = arith.constant 0 : i32
      %dma_wait3A_466 = arith.constant 0 : i32
      %dma_wait3A_467 = tpu.memref_slice %arg3[%dma_wait3A_465, %dma_wait3A_466] : memref<1000000x128xf32, #tpu.memory_space<hbm>> -> memref<1000000x128xf32, #tpu.memory_space<hbm>>
      %dma_wait3A_468 = tpu.memref_slice %arg9[%dma_wait3A_458] : memref<4x!tpu.dma_semaphore, #tpu.memory_space<semaphore_mem>> -> memref<1x!tpu.dma_semaphore, #tpu.memory_space<semaphore_mem>>
      %dma_wait3A_469 = tpu.memref_squeeze %dma_wait3A_468 : memref<1x!tpu.dma_semaphore, #tpu.memory_space<semaphore_mem>> -> memref<!tpu.dma_semaphore, #tpu.memory_space<semaphore_mem>>
      tpu.wait_indirect_dma semaphore(%dma_wait3A_469 : memref<!tpu.dma_semaphore, #tpu.memory_space<semaphore_mem>>) src(%dma_wait3A_467 : memref<1000000x128xf32, #tpu.memory_space<hbm>>) dst(%dma_wait3A_461 : memref<100x128xf32, #tpu.memory_space<vmem>>)
      %dma_wait3A_470 = arith.constant 2 : i32
      %dma_wait3A_471 = arith.constant 200 : i32
      %dma_wait3A_472 = arith.constant 0 : i32
      %dma_wait3A_473 = tpu.memref_slice %arg7[%dma_wait3A_471, %dma_wait3A_472] : memref<400x128xf32, #tpu.memory_space<vmem>> -> memref<100x128xf32, #tpu.memory_space<vmem>>
      %dma_wait3A_474 = arith.constant 0 : i32
      %dma_wait3A_475 = tpu.memref_slice %arg5[%add3A_362, %dma_wait3A_474] : memref<64x100xi32, #tpu.memory_space<vmem>> -> memref<1x100xi32, #tpu.memory_space<vmem>>
      %dma_wait3A_476 = tpu.memref_squeeze %dma_wait3A_475 : memref<1x100xi32, #tpu.memory_space<vmem>> -> memref<100xi32, #tpu.memory_space<vmem>>
      %dma_wait3A_477 = arith.constant 0 : i32
      %dma_wait3A_478 = arith.constant 0 : i32
      %dma_wait3A_479 = tpu.memref_slice %arg3[%dma_wait3A_477, %dma_wait3A_478] : memref<1000000x128xf32, #tpu.memory_space<hbm>> -> memref<1000000x128xf32, #tpu.memory_space<hbm>>
      %dma_wait3A_480 = tpu.memref_slice %arg9[%dma_wait3A_470] : memref<4x!tpu.dma_semaphore, #tpu.memory_space<semaphore_mem>> -> memref<1x!tpu.dma_semaphore, #tpu.memory_space<semaphore_mem>>
      %dma_wait3A_481 = tpu.memref_squeeze %dma_wait3A_480 : memref<1x!tpu.dma_semaphore, #tpu.memory_space<semaphore_mem>> -> memref<!tpu.dma_semaphore, #tpu.memory_space<semaphore_mem>>
      tpu.wait_indirect_dma semaphore(%dma_wait3A_481 : memref<!tpu.dma_semaphore, #tpu.memory_space<semaphore_mem>>) src(%dma_wait3A_479 : memref<1000000x128xf32, #tpu.memory_space<hbm>>) dst(%dma_wait3A_473 : memref<100x128xf32, #tpu.memory_space<vmem>>)
      %dma_wait3A_482 = arith.constant 3 : i32
      %dma_wait3A_483 = arith.constant 300 : i32
      %dma_wait3A_484 = arith.constant 0 : i32
      %dma_wait3A_485 = tpu.memref_slice %arg7[%dma_wait3A_483, %dma_wait3A_484] : memref<400x128xf32, #tpu.memory_space<vmem>> -> memref<100x128xf32, #tpu.memory_space<vmem>>
      %dma_wait3A_486 = arith.constant 0 : i32
      %dma_wait3A_487 = tpu.memref_slice %arg5[%add3A_378, %dma_wait3A_486] : memref<64x100xi32, #tpu.memory_space<vmem>> -> memref<1x100xi32, #tpu.memory_space<vmem>>
      %dma_wait3A_488 = tpu.memref_squeeze %dma_wait3A_487 : memref<1x100xi32, #tpu.memory_space<vmem>> -> memref<100xi32, #tpu.memory_space<vmem>>
      %dma_wait3A_489 = arith.constant 0 : i32
      %dma_wait3A_490 = arith.constant 0 : i32
      %dma_wait3A_491 = tpu.memref_slice %arg3[%dma_wait3A_489, %dma_wait3A_490] : memref<1000000x128xf32, #tpu.memory_space<hbm>> -> memref<1000000x128xf32, #tpu.memory_space<hbm>>
      %dma_wait3A_492 = tpu.memref_slice %arg9[%dma_wait3A_482] : memref<4x!tpu.dma_semaphore, #tpu.memory_space<semaphore_mem>> -> memref<1x!tpu.dma_semaphore, #tpu.memory_space<semaphore_mem>>
      %dma_wait3A_493 = tpu.memref_squeeze %dma_wait3A_492 : memref<1x!tpu.dma_semaphore, #tpu.memory_space<semaphore_mem>> -> memref<!tpu.dma_semaphore, #tpu.memory_space<semaphore_mem>>
      tpu.wait_indirect_dma semaphore(%dma_wait3A_493 : memref<!tpu.dma_semaphore, #tpu.memory_space<semaphore_mem>>) src(%dma_wait3A_491 : memref<1000000x128xf32, #tpu.memory_space<hbm>>) dst(%dma_wait3A_485 : memref<100x128xf32, #tpu.memory_space<vmem>>)
      %mul3A_494 = arith.constant 400 : i32
      %mul3A_495 = arith.muli %add3A_245, %mul3A_494 : i32
      %add3A_496 = arith.addi %mul3A_2, %mul3A_495 : i32
      %dma_start3A_497 = arith.constant 0 : i32
      %dma_start3A_498 = tpu.memref_slice %arg4[%add3A_496, %dma_start3A_497] : memref<204800x128xf32, #tpu.memory_space<hbm>> -> memref<400x128xf32, #tpu.memory_space<hbm>>
      %dma_start3A_499 = arith.constant 0 : i32
      %dma_start3A_500 = tpu.memref_slice %arg4[%add3A_496, %dma_start3A_499] : memref<204800x128xf32, #tpu.memory_space<hbm>> -> memref<400x128xf32, #tpu.memory_space<hbm>>
      tpu.enqueue_dma source(%arg7 : memref<400x128xf32, #tpu.memory_space<vmem>>) target(%dma_start3A_500 : memref<400x128xf32, #tpu.memory_space<hbm>>) target_semaphore(%arg11 : memref<!tpu.dma_semaphore, #tpu.memory_space<semaphore_mem>>)
    }
    %scan3A_224 = arith.constant 7 : i32
    %add3A_225 = arith.constant 5600 : i32
    %add3A_226 = arith.addi %mul3A_2, %add3A_225 : i32
    %dma_wait3A_227 = arith.constant 0 : i32
    %dma_wait3A_228 = tpu.memref_slice %arg4[%add3A_226, %dma_wait3A_227] : memref<204800x128xf32, #tpu.memory_space<hbm>> -> memref<400x128xf32, #tpu.memory_space<hbm>>
    %dma_wait3A_229 = arith.constant 0 : i32
    %dma_wait3A_230 = tpu.memref_slice %arg4[%add3A_226, %dma_wait3A_229] : memref<204800x128xf32, #tpu.memory_space<hbm>> -> memref<400x128xf32, #tpu.memory_space<hbm>>
    tpu.wait_dma2 semaphore(%arg10 : memref<!tpu.dma_semaphore, #tpu.memory_space<semaphore_mem>>) src(%arg6 : memref<400x128xf32, #tpu.memory_space<vmem>>) dst(%dma_wait3A_230 : memref<400x128xf32, #tpu.memory_space<hbm>>)
    %add3A_231 = arith.constant 6000 : i32
    %add3A_232 = arith.addi %mul3A_2, %add3A_231 : i32
    %dma_wait3A_233 = arith.constant 0 : i32
    %dma_wait3A_234 = tpu.memref_slice %arg4[%add3A_232, %dma_wait3A_233] : memref<204800x128xf32, #tpu.memory_space<hbm>> -> memref<400x128xf32, #tpu.memory_space<hbm>>
    %dma_wait3A_235 = arith.constant 0 : i32
    %dma_wait3A_236 = tpu.memref_slice %arg4[%add3A_232, %dma_wait3A_235] : memref<204800x128xf32, #tpu.memory_space<hbm>> -> memref<400x128xf32, #tpu.memory_space<hbm>>
    tpu.wait_dma2 semaphore(%arg11 : memref<!tpu.dma_semaphore, #tpu.memory_space<semaphore_mem>>) src(%arg7 : memref<400x128xf32, #tpu.memory_space<vmem>>) dst(%dma_wait3A_236 : memref<400x128xf32, #tpu.memory_space<hbm>>)
    return
  }
}

</mosaic_0001>

<sc_bundles>
// kernel: kernel.3.cloned.1.call-start
scs
__scs_entry_jumppad:
0x0: {  	(pc) =	sbr.rel $0x88, $3  }
0x1: {  	(tag) =	ssettag $0x0;
	lr =	simm.s32 $0x1  }
0x2: {  	[smem:$0x3F9F] =	sst lr;
	_ =	strace $0xD0000000  }
0x3: {  	_ = 	snop  }
0x4: {  	_ = 	snop  }
0x5: {  	_ = 	snop  }
0x6: {  	_ = 	snop  }
0x7: {  	_ = 	snop  }
__scs_overlays_trampoline_lowered:
0x8: {  	[smem:$0x3FAE] =	sst s0  }
0x9: {  	[smem:$0x3FAF] =	sst s1  }
0xa: {  	[smem:$0x3FB0] =	sst s2  }
0xb: {  	[smem:$0x3FB1] =	sst s3  }
0xc: {  	[smem:$0x3FB2] =	sst s4  }
0xd: {  	[smem:$0x3FB3] =	sst s5  }
0xe: {  	[smem:$0x3FB4] =	sst s6  }
0xf: {  	[smem:$0x3FB5] =	sst s7  }
0x10: {  	[smem:$0x3FB6] =	sst s8  }
0x11: {  	[smem:$0x3FB7] =	sst s9;
	s0 =	simm.s32 @!p0 $0x0  }
0x12: {  	s1 =	sld [smem:$0x3F9D];
	s0 =	simm.s32 @p0 $0x1  }
0x13: {  	[smem:$0x3FB8] =	sst s0;
	s0 =	simm.s32 @!p1 $0x0  }
0x14: {  	s2 =	sld [smem:$0x3F9C];
	s0 =	simm.s32 @p1 $0x1  }
0x15: {  	[smem:$0x3FB9] =	sst s0;
	s0 =	simm.s32 @!p2 $0x0  }
0x16: {  	s3 =	sld [smem:$0x3FDB];
	s0 =	simm.s32 @p2 $0x1  }
0x17: {  	s4 =	simm.s32 $0x1BF5;
	[smem:$0x3FBB] =	sst s0  }
0x18: {  	s0 =	sld [smem:$0x3F9E];
	_ =	swait.ge [sflag:s4], $0x0  }
0x19: {  	s7 =	sld [smem:$0x3F9F]  }
0x1a: {  	s8 =	sadd.s32 $0xFFFFE003, lr  }
0x1b: {  	s9 =	sadd.s32 $0xFFFFFEF7, lr;
	s5 =	simm.s32 $0xFFFFFFFF;
	p2 =	slt.u32 s8, $0xFFFFF086  }
0x1c: {  	p1 =	slt.u32 s9, $0xF7A;
	s5 =	simm.s32 @!p2 $0x0  }
0x1d: {  	s5 =	simm.s32 @p1 $0x1;
	p0 =	seq.s32 s7, s2  }
0x1e: {  	s7 =	smul.u32 @!p0 $0xF7A, s2;
	p2 =	seq.s32 @!p0 s5, $0x0  }
0x1f: {  	s9 =	smul.u32 $0xF7A, s1;
	s8 =	simm.s32 @!p0 $0x1BF5;
	p2 =	por !p2, p0  }
0x20: {  	[sflag:s8] =	ssyncset.s32 @!p0 $0xFFFFF086;
	s6 =	sadd.s32 @!p0 s3, s7;
	s7 =	simm.s32 @!p0 $0x108  }
0x21: {  	s3 =	sadd.s32 s3, s9;
	s6 =	sadd.s32 @!p0 $0x88, s6;
	s7 =	simm.s32 @p2 $0x1082  }
0x22: {  	[simem:s7], [sflag:s8] =	dma.local @!p0 [hbm:s6], $0xF7A  }
0x23: {  	s9 =	sor.u32 $0xD0000000, s2;
	s6 =	simm.s32 $0x108;
	_ =	swait.ge @!p0 [sflag:s8], $0x0  }
0x24: {  	s3 =	sadd.s32 $0x88, s3;
	s6 =	simm.s32 @!p1 $0x1082;
	[sflag:s4] =	ssyncset.s32 $0xFFFFF086  }
0x25: {  	[simem:s6], [sflag:s4] =	dma.local [hbm:s3], $0xF7A  }
0x26: {  	[smem:$0x3F9F] =	sst s1;
	(tag) =	ssettag s2;
	_ =	strace s9  }
0x27: {  	s1 =	sld [smem:$0x3FAF]  }
0x28: {  	s2 =	sld [smem:$0x3FB0]  }
0x29: {  	s4 =	sld [smem:$0x3FB2]  }
0x2a: {  	p0 =	seq.s32 s5, $0x0;
	s5 =	sld [smem:$0x3FB3]  }
0x2b: {  	s6 =	sld [smem:$0x3FB4]  }
0x2c: {  	s7 =	sld [smem:$0x3FB5]  }
0x2d: {  	s3 =	simm.s32 $0x108;
	s8 =	sld [smem:$0x3FB6]  }
0x2e: {  	s3 =	simm.s32 @!p0 $0x1082;
	s9 =	sld [smem:$0x3FB7]  }
0x2f: {  	lr =	sadd.s32 s0, s3;
	s0 =	sld [smem:$0x3FAE]  }
0x30: {  	s3 =	sld [smem:$0x3FB1]  }
0x31: {  	[smem:$0x3FBA] =	sst s10  }
0x32: {  	s10 =	sld [smem:$0x3FB8];
	_ =	sdelay $0x3  }
0x33: {  	p0 =	seq.s32 s10, $0x1;
	s10 =	sld [smem:$0x3FBA];
	_ =	sdelay $0x3  }
0x34: {  	[smem:$0x3FBA] =	sst s10  }
0x35: {  	s10 =	sld [smem:$0x3FB9];
	_ =	sdelay $0x3  }
0x36: {  	p1 =	seq.s32 s10, $0x1;
	s10 =	sld [smem:$0x3FBA];
	_ =	sdelay $0x3  }
0x37: {  	[smem:$0x3FBA] =	sst s10  }
0x38: {  	s10 =	sld [smem:$0x3FBB]  }
0x39: {  	_ = 	snop;
	(pc) =	sbr.ind lr, $3  }
0x3a: {  	_ = 	snop  }
0x3b: {  	_ = 	snop  }
0x3c: {  	p2 =	seq.s32 s10, $0x1;
	s10 =	sld [smem:$0x3FBA]  }
0x3d: {  	_ =	shalt  }
0x3e: {  	_ =	shalt  }
0x3f: {  	_ =	shalt  }
0x40: {  	_ =	shalt  }
0x41: {  	_ =	shalt  }
0x42: {  	_ =	shalt  }
0x43: {  	_ =	shalt  }
0x44: {  	_ =	shalt  }
0x45: {  	_ =	shalt  }
0x46: {  	_ =	shalt  }
0x47: {  	_ =	shalt  }
0x48: {  	_ =	shalt  }
0x49: {  	_ =	shalt  }
0x4a: {  	_ =	shalt  }
0x4b: {  	_ =	shalt  }
0x4c: {  	_ =	shalt  }
0x4d: {  	_ =	shalt  }
0x4e: {  	_ =	shalt  }
0x4f: {  	_ =	shalt  }
0x50: {  	_ =	shalt  }
0x51: {  	_ =	shalt  }
0x52: {  	_ =	shalt  }
0x53: {  	_ =	shalt  }
0x54: {  	_ =	shalt  }
0x55: {  	_ =	shalt  }
0x56: {  	_ =	shalt  }
0x57: {  	_ =	shalt  }
0x58: {  	_ =	shalt  }
0x59: {  	_ =	shalt  }
0x5a: {  	_ =	shalt  }
0x5b: {  	_ =	shalt  }
0x5c: {  	_ =	shalt  }
0x5d: {  	_ =	shalt  }
0x5e: {  	_ =	shalt  }
0x5f: {  	_ =	shalt  }
0x60: {  	_ =	shalt  }
0x61: {  	_ =	shalt  }
0x62: {  	_ =	shalt  }
0x63: {  	_ =	shalt  }
0x64: {  	_ =	shalt  }
0x65: {  	_ =	shalt  }
0x66: {  	_ =	shalt  }
0x67: {  	_ =	shalt  }
0x68: {  	_ =	shalt  }
0x69: {  	_ =	shalt  }
0x6a: {  	_ =	shalt  }
0x6b: {  	_ =	shalt  }
0x6c: {  	_ =	shalt  }
0x6d: {  	_ =	shalt  }
0x6e: {  	_ =	shalt  }
0x6f: {  	_ =	shalt  }
0x70: {  	_ =	shalt  }
0x71: {  	_ =	shalt  }
0x72: {  	_ =	shalt  }
0x73: {  	_ =	shalt  }
0x74: {  	_ =	shalt  }
0x75: {  	_ =	shalt  }
0x76: {  	_ =	shalt  }
0x77: {  	_ =	shalt  }
0x78: {  	_ =	shalt  }
0x79: {  	_ =	shalt  }
0x7a: {  	_ =	shalt  }
0x7b: {  	_ =	shalt  }
0x7c: {  	_ =	shalt  }
0x7d: {  	_ =	shalt  }
0x7e: {  	_ =	shalt  }
0x7f: {  	_ =	shalt  }
0x80: {  	_ =	shalt  }
0x81: {  	_ =	shalt  }
0x82: {  	_ =	shalt  }
0x83: {  	_ =	shalt  }
0x84: {  	_ =	shalt  }
0x85: {  	_ =	shalt  }
0x86: {  	_ =	shalt  }
0x87: {  	_ =	shalt  }
.Lfunc_end0:
.L_simem_size_0:
called_computation_lowered:
.L_overlay_start_0:
0x88: {  	s2 =	sld [smem:$0x3FD9]  }
0x89: {  	s3 =	sld [smem:$0x3FFE];
	_ =	sdelay $0x1  }
0x8a: {  	s1 =	srdreg.scid  }
0x8b: {  	s0 =	sand.u32 $0x1, s1  }
0x8c: {  	s17 =	sshll.u32 s0, $0xA;
	s2 =	sadd.s32 s3, s2  }
0x8d: {  	s2 =	sadd.s32 s2, s17  }
0x8e: {  	[smem:$0x3FC6] =	sst s2  }
0x8f: {  	_ = 	snop  }
0x90: {  	s2 =	sld [smem:$0x3FC8]  }
0x91: {  	s18 =	sld [smem:$0x3FD0];
	(tm) =	ssettm $0x1  }
0x92: {  	s4 =	sld [smem:$0x3FFB];
	_ =	sdelay $0x3  }
0x93: {  	_ =	strace s4  }
0x94: {  	s4 =	sld [smem:$0x3FFC];
	_ =	sdelay $0x3  }
0x95: {  	_ =	strace s4  }
0x96: {  	s4 =	sld [smem:$0x3FFD];
	_ =	sdelay $0x3  }
0x97: {  	_ =	strace s4  }
0x98: {  	_ =	strace $0x8FFFFFFF  }
0x99: {  	s19 =	sld [smem:$0x3FDB];
	_ =	sdelay $0x1  }
0x9a: {  	s5 =	simm.s32 $_scs_section_size  }
0x9b: {  	s6 =	simm.s32 $_size__tile_overlayer_lowered;
	s7 =	simm.s32 $_tile_overlayer_lowered  }
0x9c: {  	s22 =	simm.s32 $0x1BFF;
	s21 =	sshll.u32 s7, $0x1;
	s4 =	sadd.s32 s5, s19  }
0x9d: {  	s8 =	simm.s32 $0x0;
	s20 =	sshll.u32 s6, $0x1;
	s6 =	sadd.s32 s21, s4  }
0x9e: {  	[timem:s8], [sflag:s22] =	dma.local [hbm:s6], s20  }
0x9f: {  	_ =	swait.ge [sflag:s22], s20  }
0xa0: {  	s5 =	ssub.s32 $0x0, s20;
	[sflag:s22] =	ssyncset.done $0x0  }
0xa1: {  	[sflag:s22] =	ssyncadd.s32 s5;
	_ =	sdelay $0x1  }
0xa2: {  	s23 =	simm.s32 $0x1B8B  }
0xa3: {  	_ =	swait.ge [sflag:s23], $0x1  }
0xa4: {  	[sflag:s23] =	ssyncset.done $0x0  }
0xa5: {  	s25 =	simm.s32 $0x1B8E;
	s24 =	sld [smem:$0x3FFE];
	[sflag:s23] =	ssyncadd.s32 $0xFFFFFFFF  }
0xa6: {  	s26 =	simm.s32 $execute0_lowered;
	[smem:$0x3FD2] =	sst s25  }
0xa7: {  	s6 =	sshll.u32 s26, $0x1;
	_ =	strace $0x80000046;
	[dreg:$0x1] =	wrdreg $0xFFFFFFFF  }
0xa8: {  	s28 =	simm.s32 $_size_execute0_lowered;
	s4 =	sadd.s32 s4, s6;
	[dreg:$0x0] =	wrdreg $0x0  }
0xa9: {  	s6 =	sshll.u32 s28, $0x1;
	[dreg:$0x2] =	wrdreg s4  }
0xaa: {  	[dreg:$0x3] =	wrdreg s6  }
0xab: {  	[dreg:$0x4] =	wrdreg $0xC0  }
0xac: {  	_ =	task [dreg:s8], $0x5FFFF  }
0xad: {  	[dreg:$0x1] =	wrdreg $0xFFFFFFFF  }
0xae: {  	[dreg:$0x0] =	wrdreg $0x60  }
0xaf: {  	[dreg:$0x2] =	wrdreg s24  }
0xb0: {  	[dreg:$0x3] =	wrdreg s2  }
0xb1: {  	[dreg:$0x4] =	wrdreg s18  }
0xb2: {  	[dreg:$0x5] =	wrdreg $0x9  }
0xb3: {  	_ =	task.clear_ibuf [dreg:s8], $0x6FFFF;
	_ =	strace $0x90000046  }
0xb4: {  	s29 =	simm.s32 $0x9;
	_ =	strace $0x80000048  }
0xb5: {  	_ =	swait.ge [sflag:s29], $0x1  }
0xb6: {  	[sflag:s29] =	ssyncadd.s32 $0xFFFFFFFF  }
0xb7: {  	_ =	strace $0x90000048  }
0xb8: {  	_ =	sfence  }
0xb9: {  	s30 =	sld [smem:$0x0];
	_ =	sdelay $0x2  }
0xba: {  	s31 =	sshll.u32 s1, $0xD;
	s1 =	sshrl.u32 s1, $0x2  }
0xbb: {  	s3 =	sand.u32 $0x4000, s31;
	s1 =	sadd.s32 s1, s30  }
0xbc: {  	s0 =	sor.u32 s3, s0;
	s1 =	sshll.u32 s1, $0x11  }
0xbd: {  	s0 =	sor.u32 s1, s0  }
0xbe: {  	s0 =	sadd.s32 $0x8F2B, s0  }
0xbf: {  	[sflag:s0] =	ssyncadd.remote.s32 $0x1  }
0xc0: {  	_ =	sfence.sel $0xFFFF  }
0xc1: {  	[dreg:$0x0] =	wrdreg $0xFFFFFFFF;
	(pc) =	sbr.abs _section_cstart, $3  }
0xc2: {  	[dreg:$0x1] =	wrdreg $0xFFFFFFFF  }
0xc3: {  	_ =	task.clear_ibuf [dreg:s8], $0x2FFFF;
	_ =	strace $0x9FFFFFFF  }
0xc4: {  	(tm) =	ssettm $0x7FFFFFFF  }
0xc5: {  	_ =	shalt  }
tec
execute0_lowered:
.L_overlay_start_1:
0x0: {  	(tag) =	ssettag $0x1  }
0x1: {  	s0 =	rddreg [dreg:$0x0]  }
0x2: {  	s2 =	rddreg [dreg:$0x1]  }
0x3: {  	s1 =	rddreg [dreg:$0x2];
	s4 =	srdreg.scid  }
0x4: {  	s9 =	stileid.u32;
	s3 =	simm.s32 $0x0;
	s10 =	simm.s32 $0x64  }
0x5: {  	s11 =	simm.s32 $0x2000;
	s13 =	simm.s32 $0x5200;
	s15 =	simm.s32 $0x8400  }
0x6: {  	s17 =	simm.s32 $0xB600;
	s19 =	simm.s32 $0xE800;
	s21 =	simm.s32 $0x11A00  }
0x7: {  	s28 =	simm.s32 $0x2;
	s29 =	simm.s32 $0x3;
	s30 =	simm.s32 $0x4  }
0x8: {  	s31 =	simm.s32 $0x5;
	s12 =	simm.s32 $0x8;
	s14 =	simm.s32 $0x9  }
0x9: {  	s16 =	simm.s32 $0xA;
	s18 =	simm.s32 $0x0;
	s4 =	sand.u32 $0x1, s4  }
0xa: {  	s5 =	sshll.u32 s9, $0x1;
	[smem:$0x7FF] =	sst s3;
	s9 =	smul.u32 $0x32000, s9  }
0xb: {  	s5 =	sor.u32 s4, s5;
	_ =	strace $0x80000047;
	s24 =	smul.u32 $0x19000, s4  }
0xc: {  	s8 =	ssub.s32 $0x2, s4;
	s6 =	smul.u32 $0x19000, s5;
	s7 =	sshll.u32 s5, $0xA  }
0xd: {  	s5 =	smul.u32 $0xC8000, s5;
	s23 =	sshrl.u32 s8, $0x1;
	s9 =	sadd.s32 s9, s1  }
0xe: {  	s0 =	sadd.s32 s7, s0;
	s7 =	ssub.s32 s8, s23;
	s26 =	sadd.s32 s24, s9  }
0xf: {  	s9 =	simm.s32 $0xB;
	s23 =	simm.s32 $0x14C00;
	s5 =	sshrl.u32 s5, $0x3  }
0x10: {  	s0 =	sadd.s32 $0x400, s0;
	s7 =	smax.u32 s7, $0x1;
	s24 =	sadd.s32 $0x4B00, s26  }
0x11: {  	[dreg:$0x4] =	wrdreg s0;
	s25 =	sadd.s32 s1, s5;
	s1 =	sadd.s32 s1, s6  }
0x12: {  	s26 =	simm.s32 $0x1;
	s0 =	simm.s32 $0x6;
	[dreg:$0x5] =	wrdreg s1  }
0x13: {  	s6 =	sadd.s32 $0x1900, s25;
	s25 =	simm.s32 $0x17E00;
	s1 =	simm.s32 $0x7  }
.LBB2_1:
0x14: {  	s4 =	rddreg [dreg:$0x4]  }
0x15: {  	[tilespmem:s3], [sflag:$0xB] =	stream.linear.gather [hbm4b:s4+s3], $0x2000, $0x38;
	[tilespmem:$0x1B000] =	vst v63  }
0x16: {  	_ =	swait.ge [sflag:s9], $0x2000  }
0x17: {  	[sflag:s9] =	ssyncset.done $0x0  }
0x18: {  	[sflag:s9] =	ssyncadd.s32 $0xFFFFE000  }
0x19: {  	[tilespmem:s11], [sflag:$0x1] =	stream.indirect.gather [hbm4b:s2+s10], $0x80, s3, s10, $0xb8;
	[tilespmem:$0x1B000] =	vst v63  }
0x1a: {  	s5 =	simm.s32 $0x80  }
0x1b: {  	[tilespmem:s13], [sflag:$0x2] =	stream.indirect.gather [hbm4b:s2+s10], $0x80, s5, s10, $0xb8;
	[tilespmem:$0x1B000] =	vst v63  }
0x1c: {  	s8 =	simm.s32 $0x100  }
0x1d: {  	[tilespmem:s15], [sflag:$0x3] =	stream.indirect.gather [hbm4b:s2+s10], $0x80, s8, s10, $0xb8;
	[tilespmem:$0x1B000] =	vst v63  }
0x1e: {  	s20 =	simm.s32 $0x180  }
0x1f: {  	[tilespmem:s17], [sflag:$0x4] =	stream.indirect.gather [hbm4b:s2+s10], $0x80, s20, s10, $0xb8;
	[tilespmem:$0x1B000] =	vst v63  }
0x20: {  	s22 =	simm.s32 $0x200  }
0x21: {  	[tilespmem:s19], [sflag:$0x5] =	stream.indirect.gather [hbm4b:s2+s10], $0x80, s22, s10, $0xb8;
	[tilespmem:$0x1B000] =	vst v63  }
0x22: {  	s5 =	simm.s32 $0x280  }
0x23: {  	[tilespmem:s21], [sflag:$0x6] =	stream.indirect.gather [hbm4b:s2+s10], $0x80, s5, s10, $0xb8;
	[tilespmem:$0x1B000] =	vst v63  }
0x24: {  	s8 =	simm.s32 $0x300  }
0x25: {  	[tilespmem:s23], [sflag:$0x7] =	stream.indirect.gather [hbm4b:s2+s10], $0x80, s8, s10, $0xb8;
	[tilespmem:$0x1B000] =	vst v63  }
0x26: {  	s20 =	simm.s32 $0x380  }
0x27: {  	[tilespmem:s25], [sflag:$0x8] =	stream.indirect.gather [hbm4b:s2+s10], $0x80, s20, s10, $0xb8;
	[tilespmem:$0x1B000] =	vst v63  }
0x28: {  	_ =	swait.ge [sflag:s26], $0x3200  }
0x29: {  	[sflag:s26] =	ssyncset.done $0x0  }
0x2a: {  	[sflag:s26] =	ssyncadd.s32 $0xFFFFCE00  }
0x2b: {  	_ =	swait.ge [sflag:s28], $0x3200  }
0x2c: {  	[sflag:s28] =	ssyncset.done $0x0  }
0x2d: {  	[sflag:s28] =	ssyncadd.s32 $0xFFFFCE00  }
0x2e: {  	_ =	swait.ge [sflag:s29], $0x3200  }
0x2f: {  	[sflag:s29] =	ssyncset.done $0x0  }
0x30: {  	[sflag:s29] =	ssyncadd.s32 $0xFFFFCE00  }
0x31: {  	_ =	swait.ge [sflag:s30], $0x3200  }
0x32: {  	[sflag:s30] =	ssyncset.done $0x0  }
0x33: {  	s22 =	rddreg [dreg:$0x5];
	[sflag:s30] =	ssyncadd.s32 $0xFFFFCE00  }
0x34: {  	[hbm4b:s22+s3] =	stream.linear.scatter [tilespmem:s11], [sflag:$0x9], $0xC800, $0x38;
	[tilespmem:$0x1B000] =	vst v63  }
0x35: {  	_ =	swait.ge [sflag:s31], $0x3200  }
0x36: {  	[sflag:s31] =	ssyncset.done $0x0  }
0x37: {  	[sflag:s31] =	ssyncadd.s32 $0xFFFFCE00  }
0x38: {  	_ =	swait.ge [sflag:s0], $0x3200  }
0x39: {  	[sflag:s0] =	ssyncset.done $0x0  }
0x3a: {  	[sflag:s0] =	ssyncadd.s32 $0xFFFFCE00  }
0x3b: {  	_ =	swait.ge [sflag:s1], $0x3200  }
0x3c: {  	[sflag:s1] =	ssyncset.done $0x0  }
0x3d: {  	[sflag:s1] =	ssyncadd.s32 $0xFFFFCE00  }
0x3e: {  	_ =	swait.ge [sflag:s12], $0x3200  }
0x3f: {  	[sflag:s12] =	ssyncset.done $0x0  }
0x40: {  	[sflag:s12] =	ssyncadd.s32 $0xFFFFCE00  }
0x41: {  	[hbm4b:s6+s3] =	stream.linear.scatter [tilespmem:s19], [sflag:$0xA], $0xC800, $0x38;
	[tilespmem:$0x1B000] =	vst v63  }
0x42: {  	_ =	swait.ge [sflag:s14], $0xC800  }
0x43: {  	[sflag:s14] =	ssyncset.done $0x0  }
0x44: {  	s8 =	simm.s32 $0x400;
	[sflag:s14] =	ssyncadd.s32 $0xFFFF3800  }
0x45: {  	[tilespmem:s11], [sflag:$0x1] =	stream.indirect.gather [hbm4b:s2+s10], $0x80, s8, s10, $0xb8;
	[tilespmem:$0x1B000] =	vst v63  }
0x46: {  	s4 =	simm.s32 $0x480  }
0x47: {  	[tilespmem:s13], [sflag:$0x2] =	stream.indirect.gather [hbm4b:s2+s10], $0x80, s4, s10, $0xb8;
	[tilespmem:$0x1B000] =	vst v63  }
0x48: {  	s5 =	simm.s32 $0x500  }
0x49: {  	[tilespmem:s15], [sflag:$0x3] =	stream.indirect.gather [hbm4b:s2+s10], $0x80, s5, s10, $0xb8;
	[tilespmem:$0x1B000] =	vst v63  }
0x4a: {  	s20 =	simm.s32 $0x580  }
0x4b: {  	[tilespmem:s17], [sflag:$0x4] =	stream.indirect.gather [hbm4b:s2+s10], $0x80, s20, s10, $0xb8;
	[tilespmem:$0x1B000] =	vst v63  }
0x4c: {  	_ =	swait.ge [sflag:s16], $0xC800  }
0x4d: {  	[sflag:s16] =	ssyncset.done $0x0  }
0x4e: {  	s22 =	simm.s32 $0x600;
	[sflag:s16] =	ssyncadd.s32 $0xFFFF3800  }
0x4f: {  	[tilespmem:s19], [sflag:$0x5] =	stream.indirect.gather [hbm4b:s2+s10], $0x80, s22, s10, $0xb8;
	[tilespmem:$0x1B000] =	vst v63  }
0x50: {  	s4 =	simm.s32 $0x680  }
0x51: {  	[tilespmem:s21], [sflag:$0x6] =	stream.indirect.gather [hbm4b:s2+s10], $0x80, s4, s10, $0xb8;
	[tilespmem:$0x1B000] =	vst v63  }
0x52: {  	s5 =	simm.s32 $0x700  }
0x53: {  	[tilespmem:s23], [sflag:$0x7] =	stream.indirect.gather [hbm4b:s2+s10], $0x80, s5, s10, $0xb8;
	[tilespmem:$0x1B000] =	vst v63  }
0x54: {  	s20 =	simm.s32 $0x780  }
0x55: {  	[tilespmem:s25], [sflag:$0x8] =	stream.indirect.gather [hbm4b:s2+s10], $0x80, s20, s10, $0xb8;
	[tilespmem:$0x1B000] =	vst v63  }
0x56: {  	_ =	swait.ge [sflag:s26], $0x3200  }
0x57: {  	[sflag:s26] =	ssyncset.done $0x0  }
0x58: {  	[sflag:s26] =	ssyncadd.s32 $0xFFFFCE00  }
0x59: {  	_ =	swait.ge [sflag:s28], $0x3200  }
0x5a: {  	[sflag:s28] =	ssyncset.done $0x0  }
0x5b: {  	[sflag:s28] =	ssyncadd.s32 $0xFFFFCE00  }
0x5c: {  	_ =	swait.ge [sflag:s29], $0x3200  }
0x5d: {  	[sflag:s29] =	ssyncset.done $0x0  }
0x5e: {  	[sflag:s29] =	ssyncadd.s32 $0xFFFFCE00  }
0x5f: {  	_ =	swait.ge [sflag:s30], $0x3200  }
0x60: {  	[sflag:s30] =	ssyncset.done $0x0  }
0x61: {  	s22 =	sadd.s32 $0xFFFFE700, s24;
	[sflag:s30] =	ssyncadd.s32 $0xFFFFCE00  }
0x62: {  	[hbm4b:s22+s3] =	stream.linear.scatter [tilespmem:s11], [sflag:$0x9], $0xC800, $0x38;
	[tilespmem:$0x1B000] =	vst v63  }
0x63: {  	_ =	swait.ge [sflag:s31], $0x3200  }
0x64: {  	[sflag:s31] =	ssyncset.done $0x0  }
0x65: {  	[sflag:s31] =	ssyncadd.s32 $0xFFFFCE00  }
0x66: {  	_ =	swait.ge [sflag:s0], $0x3200  }
0x67: {  	[sflag:s0] =	ssyncset.done $0x0  }
0x68: {  	[sflag:s0] =	ssyncadd.s32 $0xFFFFCE00  }
0x69: {  	_ =	swait.ge [sflag:s1], $0x3200  }
0x6a: {  	[sflag:s1] =	ssyncset.done $0x0  }
0x6b: {  	[sflag:s1] =	ssyncadd.s32 $0xFFFFCE00  }
0x6c: {  	_ =	swait.ge [sflag:s12], $0x3200  }
0x6d: {  	s8 =	smov.u32 s24;
	[sflag:s12] =	ssyncset.done $0x0  }
0x6e: {  	s20 =	simm.s32 $0x1000;
	s22 =	sadd.s32 $0x3200, s24;
	[sflag:s12] =	ssyncadd.s32 $0xFFFFCE00  }
.LBB2_2:
0x6f: {  	[hbm4b:s8+s3] =	stream.linear.scatter [tilespmem:s19], [sflag:$0xA], $0xC800, $0x38;
	[tilespmem:$0x1B000] =	vst v63  }
0x70: {  	s4 =	smov.u32 s20;
	s8 =	smov.u32 s22  }
0x71: {  	p0 =	sne.s32 s20, $0x6000;
	s20 =	sadd.s32 $0x1000, s20;
	_ =	swait.ge [sflag:s14], $0xC800  }
0x72: {  	s4 =	sshra.s32 s4, $0x2;
	[sflag:s14] =	ssyncset.done $0x0  }
0x73: {  	s5 =	sadd.s32 $0x400, s4;
	[sflag:s14] =	ssyncadd.s32 $0xFFFF3800  }
0x74: {  	[tilespmem:s11], [sflag:$0x1] =	stream.indirect.gather [hbm4b:s2+s10], $0x80, s5, s10, $0xb8;
	[tilespmem:$0x1B000] =	vst v63  }
0x75: {  	s5 =	sadd.s32 $0x480, s4  }
0x76: {  	[tilespmem:s13], [sflag:$0x2] =	stream.indirect.gather [hbm4b:s2+s10], $0x80, s5, s10, $0xb8;
	[tilespmem:$0x1B000] =	vst v63  }
0x77: {  	s5 =	sadd.s32 $0x500, s4  }
0x78: {  	[tilespmem:s15], [sflag:$0x3] =	stream.indirect.gather [hbm4b:s2+s10], $0x80, s5, s10, $0xb8;
	[tilespmem:$0x1B000] =	vst v63  }
0x79: {  	s5 =	sadd.s32 $0x580, s4  }
0x7a: {  	[tilespmem:s17], [sflag:$0x4] =	stream.indirect.gather [hbm4b:s2+s10], $0x80, s5, s10, $0xb8;
	[tilespmem:$0x1B000] =	vst v63  }
0x7b: {  	_ =	swait.ge [sflag:s16], $0xC800  }
0x7c: {  	[sflag:s16] =	ssyncset.done $0x0  }
0x7d: {  	s5 =	sadd.s32 $0x600, s4;
	[sflag:s16] =	ssyncadd.s32 $0xFFFF3800  }
0x7e: {  	[tilespmem:s19], [sflag:$0x5] =	stream.indirect.gather [hbm4b:s2+s10], $0x80, s5, s10, $0xb8;
	[tilespmem:$0x1B000] =	vst v63  }
0x7f: {  	s5 =	sadd.s32 $0x680, s4  }
0x80: {  	[tilespmem:s21], [sflag:$0x6] =	stream.indirect.gather [hbm4b:s2+s10], $0x80, s5, s10, $0xb8;
	[tilespmem:$0x1B000] =	vst v63  }
0x81: {  	s5 =	sadd.s32 $0x700, s4  }
0x82: {  	[tilespmem:s23], [sflag:$0x7] =	stream.indirect.gather [hbm4b:s2+s10], $0x80, s5, s10, $0xb8;
	[tilespmem:$0x1B000] =	vst v63  }
0x83: {  	s4 =	sadd.s32 $0x780, s4  }
0x84: {  	[tilespmem:s25], [sflag:$0x8] =	stream.indirect.gather [hbm4b:s2+s10], $0x80, s4, s10, $0xb8;
	[tilespmem:$0x1B000] =	vst v63  }
0x85: {  	_ =	swait.ge [sflag:s26], $0x3200  }
0x86: {  	[sflag:s26] =	ssyncset.done $0x0  }
0x87: {  	[sflag:s26] =	ssyncadd.s32 $0xFFFFCE00  }
0x88: {  	_ =	swait.ge [sflag:s28], $0x3200  }
0x89: {  	[sflag:s28] =	ssyncset.done $0x0  }
0x8a: {  	[sflag:s28] =	ssyncadd.s32 $0xFFFFCE00  }
0x8b: {  	_ =	swait.ge [sflag:s29], $0x3200  }
0x8c: {  	[sflag:s29] =	ssyncset.done $0x0  }
0x8d: {  	[sflag:s29] =	ssyncadd.s32 $0xFFFFCE00  }
0x8e: {  	_ =	swait.ge [sflag:s30], $0x3200  }
0x8f: {  	[sflag:s30] =	ssyncset.done $0x0  }
0x90: {  	s4 =	sadd.s32 $0xFFFFE700, s22;
	[sflag:s30] =	ssyncadd.s32 $0xFFFFCE00  }
0x91: {  	[hbm4b:s4+s3] =	stream.linear.scatter [tilespmem:s11], [sflag:$0x9], $0xC800, $0x38;
	[tilespmem:$0x1B000] =	vst v63  }
0x92: {  	_ =	swait.ge [sflag:s31], $0x3200  }
0x93: {  	[sflag:s31] =	ssyncset.done $0x0  }
0x94: {  	[sflag:s31] =	ssyncadd.s32 $0xFFFFCE00  }
0x95: {  	_ =	swait.ge [sflag:s0], $0x3200  }
0x96: {  	[sflag:s0] =	ssyncset.done $0x0  }
0x97: {  	[sflag:s0] =	ssyncadd.s32 $0xFFFFCE00  }
0x98: {  	_ =	swait.ge [sflag:s1], $0x3200  }
.Ltmp0:
0x99: {  	[sflag:s1] =	ssyncset.done $0x0;
	(pc) =	sbr.rel @p0 .LBB2_2-.Ltmp0, $4  }
0x9a: {  	[sflag:s1] =	ssyncadd.s32 $0xFFFFCE00  }
0x9b: {  	_ =	swait.ge [sflag:s12], $0x3200  }
0x9c: {  	[sflag:s12] =	ssyncset.done $0x0  }
0x9d: {  	s22 =	sadd.s32 $0x3200, s22;
	[sflag:s12] =	ssyncadd.s32 $0xFFFFCE00  }
0x9e: {  	[hbm4b:s8+s3] =	stream.linear.scatter [tilespmem:s19], [sflag:$0xA], $0xC800, $0x38;
	[tilespmem:$0x1B000] =	vst v63  }
0x9f: {  	s18 =	sadd.s32 $0x1, s18  }
0xa0: {  	_ =	swait.ge [sflag:s14], $0xC800;
	p0 =	sne.s32 s18, s7  }
.Ltmp1:
0xa1: {  	[sflag:s14] =	ssyncset.done $0x0;
	(pc) =	sbr.rel @p0 .LBB2_1-.Ltmp1, $4  }
0xa2: {  	[sflag:s14] =	ssyncadd.s32 $0xFFFF3800  }
0xa3: {  	_ =	swait.ge [sflag:s16], $0xC800  }
0xa4: {  	[sflag:s16] =	ssyncset.done $0x0  }
0xa5: {  	[sflag:s16] =	ssyncadd.s32 $0xFFFF3800  }
0xa6: {  	_ =	sfence.sel $0x180000  }
0xa7: {  	[bflag:$0x0] =	sbarrier.arrive $0xFFFF  }
0xa8: {  	_ =	strace $0x90000047  }
0xa9: {  	s0 =	stileid.u32;
	[bflag:$0x2] =	sbarrier.arrive $0xFFFF  }
0xaa: {  	p0 =	sne.s32 s0, $0x0;
	s0 =	rddreg [dreg:$0x3]  }
0xab: {  	s0 =	sadd.s32 @!p0 $0x100000, s0  }
0xac: {  	[sflag:s0] =	ssyncadd.tile.s32 @!p0 $0x1;
	_ =	shalt  }
.Lfunc_end2:
_tile_overlayer_lowered:
.L_overlay_start_2:
0xad: {  	(tag) =	ssettag $0x2  }
0xae: {  	s0 =	rddreg [dreg:$0x0];
	s2 =	stileid.u32  }
0xaf: {  	s1 =	rddreg [dreg:$0x1];
	p0 =	sne.s32 s2, $0x0  }
0xb0: {  	s3 =	rddreg [dreg:$0x2];
	[bflag:$0x3] =	sbarrier.arrive $0xFFFF;
	s2 =	simm.s32 @!p0 $0x1C0B  }
0xb1: {  	[timem:s3], [sflag:s2] =	dma.local @!p0 [hbm:s0], s1  }
0xb2: {  	s0 =	simm.s32 @!p0 $0xB  }
0xb3: {  	_ =	swait.ge @!p0 [sflag:s0], s1  }
0xb4: {  	s1 =	ssub.s32 @!p0 $0x0, s1;
	[sflag:s0] =	ssyncset.done @!p0 $0x0  }
0xb5: {  	[sflag:s0] =	ssyncadd.s32 @!p0 s1  }
0xb6: {  	[bflag:$0x3] =	sbarrier.arrive $0xFFFF  }
0xb7: {  	_ =	shalt  }

</sc_bundles>
